<compile_context>
chip_gen: v7x
topology: tpu7x:2x2x1
jax: 0.10.2.dev20260603
libtpu: 0.0.44.dev20260713+nightly
codegen_flags: <defaults>
</compile_context>

<pallas_src>
import functools

import jax
import jax.numpy as jnp
from jax import lax
from jax.experimental import pallas as pl
from jax.experimental.pallas import tpu as pltpu
from jax.experimental.pallas import tpu_sc as plsc

VOCAB = 1000000
DIM = 100
BATCH = 16384
HIST = 200

_LANES = 16

_MV_R = 8000
_MV_NCH = VOCAB // _MV_R
_MV_NBUF = 6


def _matvec_body(t_hbm, w_ref, o_ref, bufs, sems):
    def mk(g, b):
        return pltpu.make_async_copy(
            t_hbm.at[pl.ds(g * _MV_R, _MV_R), :], bufs.at[b], sems.at[b])

    for b in range(_MV_NBUF):
        mk(b, b).start()

    def outer(io, carry):
        g0 = io * _MV_NBUF
        for b in range(_MV_NBUF):
            g = g0 + b
            mk(g, b).wait()
            res = lax.dot_general(
                w_ref[...], bufs[b],
                (((1,), (1,)), ((), ())),
                preferred_element_type=jnp.float32,
            ) * (1.0 / HIST)
            o_ref[pl.ds(g, 1), :] = res
            nxt = g + _MV_NBUF

            @pl.when(nxt < _MV_NCH)
            def _():
                mk(nxt, b).start()

        return carry

    lax.fori_loop(0, _MV_NCH // _MV_NBUF, outer, 0)
    rem = _MV_NCH % _MV_NBUF
    for b in range(rem):
        g = (_MV_NCH // _MV_NBUF) * _MV_NBUF + b
        mk(g, b).wait()
        res = lax.dot_general(
            w_ref[...], bufs[b],
            (((1,), (1,)), ((), ())),
            preferred_element_type=jnp.float32,
        ) * (1.0 / HIST)
        o_ref[pl.ds(g, 1), :] = res


def _table_matvec(table, weights):
    wt = weights.reshape(1, DIM)
    out = pl.pallas_call(
        _matvec_body,
        in_specs=[
            pl.BlockSpec(memory_space=pltpu.MemorySpace.HBM),
            pl.BlockSpec((1, DIM), lambda: (0, 0)),
        ],
        out_specs=pl.BlockSpec((_MV_NCH, _MV_R), lambda: (0, 0)),
        out_shape=jax.ShapeDtypeStruct((_MV_NCH, _MV_R), jnp.float32),
        scratch_shapes=[
            pltpu.VMEM((_MV_NBUF, _MV_R, DIM), jnp.float32),
            pltpu.SemaphoreType.DMA((_MV_NBUF,)),
        ],
    )(table, wt)
    return out.reshape(VOCAB)


def _make_sc_gather_sum():
    nc, ns = 2, 16
    nw = nc * ns
    rows_w = BATCH // nw
    chunk_rows = 128
    n_chunks = rows_w // chunk_rows
    chunk_idx = chunk_rows * HIST

    mesh = plsc.VectorSubcoreMesh(core_axis_name="c", subcore_axis_name="s")
    n_full = HIST // _LANES
    tail_at = HIST - _LANES

    @functools.partial(
        pl.kernel,
        mesh=mesh,
        out_type=jax.ShapeDtypeStruct((BATCH * _LANES,), jnp.float32),
        scratch_types=[
            pltpu.VMEM((chunk_idx,), jnp.int32),
            pltpu.VMEM((chunk_idx,), jnp.int32),
            pltpu.VMEM((chunk_idx,), jnp.float32),
            pltpu.VMEM((chunk_idx,), jnp.float32),
            pltpu.VMEM((rows_w * _LANES,), jnp.float32),
            pltpu.SemaphoreType.DMA((2,)),
            pltpu.SemaphoreType.DMA((2,)),
        ],
    )
    def sc_kernel(idx_hbm, s_hbm, out_hbm, idx_v0, idx_v1, vals_v0, vals_v1,
                  part_v, isem, gsem):
        idx_bufs = (idx_v0, idx_v1)
        vals_bufs = (vals_v0, vals_v1)
        wid = lax.axis_index("s") * nc + lax.axis_index("c")
        row0 = wid * rows_w
        lane = lax.iota(jnp.int32, _LANES)
        tail_mask = jnp.where(
            lane >= (n_full * _LANES - tail_at),
            jnp.float32(1.0), jnp.float32(0.0))

        def idx_copy(c):
            base = row0 * HIST + c * chunk_idx
            return pltpu.async_copy(
                idx_hbm.at[pl.ds(base, chunk_idx)], idx_bufs[c % 2],
                isem.at[c % 2])

        def gather(c):
            return pltpu.async_copy(
                s_hbm.at[idx_bufs[c % 2]], vals_bufs[c % 2], gsem.at[c % 2])

        def fold(c):
            vb = vals_bufs[c % 2]

            def row_body(r, carry2):
                rb = r * HIST
                acc = vb[pl.ds(rb + tail_at, _LANES)] * tail_mask
                for j in range(n_full):
                    acc = acc + vb[pl.ds(rb + j * _LANES, _LANES)]
                part_v[pl.ds((c * chunk_rows + r) * _LANES, _LANES)] = acc
                return carry2

            lax.fori_loop(0, chunk_rows, row_body, 0)

        cps = {0: idx_copy(0), 1: idx_copy(1)}
        cps[0].wait()
        g = gather(0)
        for c in range(n_chunks):
            g.wait()
            if c + 1 < n_chunks:
                cps[c + 1].wait()
                g = gather(c + 1)
            if c + 2 < n_chunks:
                cps[c + 2] = idx_copy(c + 2)
            fold(c)
        pltpu.sync_copy(part_v, out_hbm.at[pl.ds(row0 * _LANES, rows_w * _LANES)])

    return sc_kernel


_sc_gather_sum = _make_sc_gather_sum()


def _reduce16_body(p_ref, o_ref):
    o_ref[...] = jnp.sum(p_ref[...], axis=1, keepdims=True)


def _reduce16(part):
    blk = 2048
    return pl.pallas_call(
        _reduce16_body,
        grid=(BATCH // blk,),
        in_specs=[pl.BlockSpec((blk, _LANES), lambda i: (i, 0))],
        out_specs=pl.BlockSpec((blk, 1), lambda i: (i, 0)),
        out_shape=jax.ShapeDtypeStruct((BATCH, 1), jnp.float32),
    )(part)


def kernel(batch_word_idxs, table, weights):
    s = _table_matvec(table, weights)
    idx_flat = batch_word_idxs.reshape(-1).astype(jnp.int32)
    part = _sc_gather_sum(idx_flat, s).reshape(BATCH, _LANES)
    return _reduce16(part)

# --- scband reference (transcript-rebuilt; emitter-appended) ---
"""Pipeline reference for scband-binary-classifier-2783138808289 (READ-ONLY COPY).

The authoritative reference and input builder live on the scoring server;
editing this copy changes nothing except your own understanding.
"""

import jax, jax.numpy as jnp
import numpy as np

VOCAB = 1000000
EMBEDDING_DIM = 100
BATCH = 16384
HIST = 200

def setup_inputs(seed: int = 0) -> dict:
    key = jax.random.key(seed)
    k1, k2 = jax.random.split(key)
    batch_word_idxs = jax.random.randint(k1, (BATCH, HIST), 0, VOCAB, dtype=jnp.int64 if jax.config.jax_enable_x64 else jnp.int32)
    # embedding table initialized uniform(-1, 1) as in the torch module
    table = jax.random.uniform(k2, (VOCAB, EMBEDDING_DIM), minval=-1.0, maxval=1.0, dtype=jnp.float32)
    weights = jnp.ones((EMBEDDING_DIM, 1), dtype=jnp.float32)
    return {"batch_word_idxs": batch_word_idxs, "table": table, "weights": weights}

def reference(batch_word_idxs, table, weights):
    # per-sequence embedding lookup + mean pooling (vectorized over the batch loop)
    embeds = jnp.take(table, batch_word_idxs, axis=0)      # [B, L, D]
    hiddens = embeds.mean(axis=1)                           # [B, D]
    prod = hiddens @ weights                                # [B, 1]
    return prod

if __name__ == "__main__":
    import jax
    _d = setup_inputs()
    print(jax.jit(kernel)(*tuple(_d.values())))

</pallas_src>

<mosaic_0001>
#map = affine_map<(d0, d1) -> (0)>
module attributes {stable_mosaic.version = 14 : i64} {
  func.func @sc_kernel(%arg0: i32, %arg1: i32, %arg2: memref<3276800xi32, #tpu.memory_space<hbm>>, %arg3: memref<1000000xf32, #tpu.memory_space<hbm>>, %arg4: memref<262144xf32, #tpu.memory_space<hbm>>, %arg5: memref<25600xi32, #tpu.memory_space<vmem>>, %arg6: memref<25600xi32, #tpu.memory_space<vmem>>, %arg7: memref<25600xf32, #tpu.memory_space<vmem>>, %arg8: memref<25600xf32, #tpu.memory_space<vmem>>, %arg9: memref<8192xf32, #tpu.memory_space<vmem>>, %arg10: memref<2x!tpu.dma_semaphore, #tpu.memory_space<semaphore_mem>>, %arg11: memref<2x!tpu.dma_semaphore, #tpu.memory_space<semaphore_mem>>) attributes {dimension_semantics = [#tpu.dimension_semantics<core_parallel>, #tpu.dimension_semantics<subcore_parallel>], iteration_bounds = array<i64: 2, 16>, scalar_prefetch = 0 : i64, scratch_operands = 7 : i64, tpu.core_type = #tpu.core_type<sc_vector_subcore>, window_params = [{transform_indices = #map}, {transform_indices = #map}, {transform_indices = #map}]} {
    %mul3A = arith.constant 2 : i32
    %mul3A_0 = arith.muli %arg1, %mul3A : i32
    %add3A = arith.addi %mul3A_0, %arg0 : i32
    %mul3A_1 = arith.constant 512 : i32
    %mul3A_2 = arith.muli %add3A, %mul3A_1 : i32
    %iota3A = tpu.iota {dimensions = array<i32: 0>} : vector<16xi32>
    %ge3A = arith.constant 8 : i32
    %ge3A_3 = vector.broadcast %ge3A : i32 to vector<16xi32>
    %ge3A_4 = arith.cmpi sge, %iota3A, %ge3A_3 : vector<16xi32>
    %jit3A = arith.constant 1.000000e+00 : f32
    %jit3A_5 = arith.constant 0.000000e+00 : f32
    %broadcast_in_dim3A = vector.broadcast %jit3A : f32 to vector<16xf32>
    %broadcast_in_dim3A_6 = vector.broadcast %jit3A_5 : f32 to vector<16xf32>
    %select_n3A = arith.select %ge3A_4, %broadcast_in_dim3A, %broadcast_in_dim3A_6 : vector<16xi1>, vector<16xf32>
    %mul3A_7 = arith.constant 200 : i32
    %mul3A_8 = arith.muli %mul3A_2, %mul3A_7 : i32
    %add3A_9 = arith.constant 0 : i32
    %add3A_10 = arith.addi %mul3A_8, %add3A_9 : i32
    %dma_start3A = arith.constant 0 : i32
    %dma_start3A_11 = tpu.memref_slice %arg2[%add3A_10] : memref<3276800xi32, #tpu.memory_space<hbm>> -> memref<25600xi32, #tpu.memory_space<hbm>>
    %dma_start3A_12 = tpu.memref_slice %arg10[%dma_start3A] : memref<2x!tpu.dma_semaphore, #tpu.memory_space<semaphore_mem>> -> memref<1x!tpu.dma_semaphore, #tpu.memory_space<semaphore_mem>>
    %dma_start3A_13 = tpu.memref_squeeze %dma_start3A_12 : memref<1x!tpu.dma_semaphore, #tpu.memory_space<semaphore_mem>> -> memref<!tpu.dma_semaphore, #tpu.memory_space<semaphore_mem>>
    %dma_start3A_14 = tpu.memref_slice %arg2[%add3A_10] : memref<3276800xi32, #tpu.memory_space<hbm>> -> memref<25600xi32, #tpu.memory_space<hbm>>
    tpu.enqueue_dma source(%dma_start3A_14 : memref<25600xi32, #tpu.memory_space<hbm>>) target(%arg5 : memref<25600xi32, #tpu.memory_space<vmem>>) target_semaphore(%dma_start3A_13 : memref<!tpu.dma_semaphore, #tpu.memory_space<semaphore_mem>>)
    %mul3A_15 = arith.constant 200 : i32
    %mul3A_16 = arith.muli %mul3A_2, %mul3A_15 : i32
    %add3A_17 = arith.constant 25600 : i32
    %add3A_18 = arith.addi %mul3A_16, %add3A_17 : i32
    %dma_start3A_19 = arith.constant 1 : i32
    %dma_start3A_20 = tpu.memref_slice %arg2[%add3A_18] : memref<3276800xi32, #tpu.memory_space<hbm>> -> memref<25600xi32, #tpu.memory_space<hbm>>
    %dma_start3A_21 = tpu.memref_slice %arg10[%dma_start3A_19] : memref<2x!tpu.dma_semaphore, #tpu.memory_space<semaphore_mem>> -> memref<1x!tpu.dma_semaphore, #tpu.memory_space<semaphore_mem>>
    %dma_start3A_22 = tpu.memref_squeeze %dma_start3A_21 : memref<1x!tpu.dma_semaphore, #tpu.memory_space<semaphore_mem>> -> memref<!tpu.dma_semaphore, #tpu.memory_space<semaphore_mem>>
    %dma_start3A_23 = tpu.memref_slice %arg2[%add3A_18] : memref<3276800xi32, #tpu.memory_space<hbm>> -> memref<25600xi32, #tpu.memory_space<hbm>>
    tpu.enqueue_dma source(%dma_start3A_23 : memref<25600xi32, #tpu.memory_space<hbm>>) target(%arg6 : memref<25600xi32, #tpu.memory_space<vmem>>) target_semaphore(%dma_start3A_22 : memref<!tpu.dma_semaphore, #tpu.memory_space<semaphore_mem>>)
    %dma_wait3A = arith.constant 0 : i32
    %dma_wait3A_24 = tpu.memref_slice %arg2[%add3A_10] : memref<3276800xi32, #tpu.memory_space<hbm>> -> memref<25600xi32, #tpu.memory_space<hbm>>
    %dma_wait3A_25 = tpu.memref_slice %arg10[%dma_wait3A] : memref<2x!tpu.dma_semaphore, #tpu.memory_space<semaphore_mem>> -> memref<1x!tpu.dma_semaphore, #tpu.memory_space<semaphore_mem>>
    %dma_wait3A_26 = tpu.memref_squeeze %dma_wait3A_25 : memref<1x!tpu.dma_semaphore, #tpu.memory_space<semaphore_mem>> -> memref<!tpu.dma_semaphore, #tpu.memory_space<semaphore_mem>>
    %dma_wait3A_27 = tpu.memref_slice %arg2[%add3A_10] : memref<3276800xi32, #tpu.memory_space<hbm>> -> memref<25600xi32, #tpu.memory_space<hbm>>
    tpu.wait_dma2 semaphore(%dma_wait3A_26 : memref<!tpu.dma_semaphore, #tpu.memory_space<semaphore_mem>>) src(%dma_wait3A_27 : memref<25600xi32, #tpu.memory_space<hbm>>) dst(%arg5 : memref<25600xi32, #tpu.memory_space<vmem>>)
    %dma_start3A_28 = arith.constant 0 : i32
    %dma_start3A_29 = arith.constant 0 : i32
    %dma_start3A_30 = tpu.memref_slice %arg3[%dma_start3A_29] : memref<1000000xf32, #tpu.memory_space<hbm>> -> memref<1000000xf32, #tpu.memory_space<hbm>>
    %dma_start3A_31 = tpu.memref_slice %arg11[%dma_start3A_28] : memref<2x!tpu.dma_semaphore, #tpu.memory_space<semaphore_mem>> -> memref<1x!tpu.dma_semaphore, #tpu.memory_space<semaphore_mem>>
    %dma_start3A_32 = tpu.memref_squeeze %dma_start3A_31 : memref<1x!tpu.dma_semaphore, #tpu.memory_space<semaphore_mem>> -> memref<!tpu.dma_semaphore, #tpu.memory_space<semaphore_mem>>
    tpu.enqueue_indirect_dma source(%dma_start3A_30 : memref<1000000xf32, #tpu.memory_space<hbm>>) target(%arg7 : memref<25600xf32, #tpu.memory_space<vmem>>) offsets(%arg5 : memref<25600xi32, #tpu.memory_space<vmem>>) semaphore(%dma_start3A_32 : memref<!tpu.dma_semaphore, #tpu.memory_space<semaphore_mem>>)
    %dma_wait3A_33 = arith.constant 0 : i32
    %dma_wait3A_34 = arith.constant 0 : i32
    %dma_wait3A_35 = tpu.memref_slice %arg3[%dma_wait3A_34] : memref<1000000xf32, #tpu.memory_space<hbm>> -> memref<1000000xf32, #tpu.memory_space<hbm>>
    %dma_wait3A_36 = tpu.memref_slice %arg11[%dma_wait3A_33] : memref<2x!tpu.dma_semaphore, #tpu.memory_space<semaphore_mem>> -> memref<1x!tpu.dma_semaphore, #tpu.memory_space<semaphore_mem>>
    %dma_wait3A_37 = tpu.memref_squeeze %dma_wait3A_36 : memref<1x!tpu.dma_semaphore, #tpu.memory_space<semaphore_mem>> -> memref<!tpu.dma_semaphore, #tpu.memory_space<semaphore_mem>>
    tpu.wait_indirect_dma semaphore(%dma_wait3A_37 : memref<!tpu.dma_semaphore, #tpu.memory_space<semaphore_mem>>) src(%dma_wait3A_35 : memref<1000000xf32, #tpu.memory_space<hbm>>) dst(%arg7 : memref<25600xf32, #tpu.memory_space<vmem>>)
    %dma_wait3A_38 = arith.constant 1 : i32
    %dma_wait3A_39 = tpu.memref_slice %arg2[%add3A_18] : memref<3276800xi32, #tpu.memory_space<hbm>> -> memref<25600xi32, #tpu.memory_space<hbm>>
    %dma_wait3A_40 = tpu.memref_slice %arg10[%dma_wait3A_38] : memref<2x!tpu.dma_semaphore, #tpu.memory_space<semaphore_mem>> -> memref<1x!tpu.dma_semaphore, #tpu.memory_space<semaphore_mem>>
    %dma_wait3A_41 = tpu.memref_squeeze %dma_wait3A_40 : memref<1x!tpu.dma_semaphore, #tpu.memory_space<semaphore_mem>> -> memref<!tpu.dma_semaphore, #tpu.memory_space<semaphore_mem>>
    %dma_wait3A_42 = tpu.memref_slice %arg2[%add3A_18] : memref<3276800xi32, #tpu.memory_space<hbm>> -> memref<25600xi32, #tpu.memory_space<hbm>>
    tpu.wait_dma2 semaphore(%dma_wait3A_41 : memref<!tpu.dma_semaphore, #tpu.memory_space<semaphore_mem>>) src(%dma_wait3A_42 : memref<25600xi32, #tpu.memory_space<hbm>>) dst(%arg6 : memref<25600xi32, #tpu.memory_space<vmem>>)
    %dma_start3A_43 = arith.constant 1 : i32
    %dma_start3A_44 = arith.constant 0 : i32
    %dma_start3A_45 = tpu.memref_slice %arg3[%dma_start3A_44] : memref<1000000xf32, #tpu.memory_space<hbm>> -> memref<1000000xf32, #tpu.memory_space<hbm>>
    %dma_start3A_46 = tpu.memref_slice %arg11[%dma_start3A_43] : memref<2x!tpu.dma_semaphore, #tpu.memory_space<semaphore_mem>> -> memref<1x!tpu.dma_semaphore, #tpu.memory_space<semaphore_mem>>
    %dma_start3A_47 = tpu.memref_squeeze %dma_start3A_46 : memref<1x!tpu.dma_semaphore, #tpu.memory_space<semaphore_mem>> -> memref<!tpu.dma_semaphore, #tpu.memory_space<semaphore_mem>>
    tpu.enqueue_indirect_dma source(%dma_start3A_45 : memref<1000000xf32, #tpu.memory_space<hbm>>) target(%arg8 : memref<25600xf32, #tpu.memory_space<vmem>>) offsets(%arg6 : memref<25600xi32, #tpu.memory_space<vmem>>) semaphore(%dma_start3A_47 : memref<!tpu.dma_semaphore, #tpu.memory_space<semaphore_mem>>)
    %mul3A_48 = arith.constant 200 : i32
    %mul3A_49 = arith.muli %mul3A_2, %mul3A_48 : i32
    %add3A_50 = arith.constant 51200 : i32
    %add3A_51 = arith.addi %mul3A_49, %add3A_50 : i32
    %dma_start3A_52 = arith.constant 0 : i32
    %dma_start3A_53 = tpu.memref_slice %arg2[%add3A_51] : memref<3276800xi32, #tpu.memory_space<hbm>> -> memref<25600xi32, #tpu.memory_space<hbm>>
    %dma_start3A_54 = tpu.memref_slice %arg10[%dma_start3A_52] : memref<2x!tpu.dma_semaphore, #tpu.memory_space<semaphore_mem>> -> memref<1x!tpu.dma_semaphore, #tpu.memory_space<semaphore_mem>>
    %dma_start3A_55 = tpu.memref_squeeze %dma_start3A_54 : memref<1x!tpu.dma_semaphore, #tpu.memory_space<semaphore_mem>> -> memref<!tpu.dma_semaphore, #tpu.memory_space<semaphore_mem>>
    %dma_start3A_56 = tpu.memref_slice %arg2[%add3A_51] : memref<3276800xi32, #tpu.memory_space<hbm>> -> memref<25600xi32, #tpu.memory_space<hbm>>
    tpu.enqueue_dma source(%dma_start3A_56 : memref<25600xi32, #tpu.memory_space<hbm>>) target(%arg5 : memref<25600xi32, #tpu.memory_space<vmem>>) target_semaphore(%dma_start3A_55 : memref<!tpu.dma_semaphore, #tpu.memory_space<semaphore_mem>>)
    %scan3A = arith.constant 0 : i32
    %scan3A_57 = arith.constant 0 : i32
    %scan3A_58 = arith.constant 128 : i32
    %scan3A_59 = arith.addi %scan3A_57, %scan3A_58 : i32
    %scan3A_60 = arith.constant 1 : i32
    scf.for %scan3A_126 = %scan3A_57 to %scan3A_59 step %scan3A_60  : i32 {
      %mul3A_127 = arith.constant 200 : i32
      %mul3A_128 = arith.muli %scan3A_126, %mul3A_127 : i32
      %add3A_129 = arith.constant 184 : i32
      %add3A_130 = arith.addi %mul3A_128, %add3A_129 : i32
      %get3A = arith.index_cast %add3A_130 : i32 to index
      %get3A_131 = tpu.vector_load %arg7[%get3A] {strides = array<i32>} : memref<25600xf32, #tpu.memory_space<vmem>>, vector<16xf32>,
      %get3A_132 = vector.shape_cast %get3A_131 : vector<16xf32> to vector<16xf32>
      %mul3A_133 = arith.mulf %get3A_132, %select_n3A : vector<16xf32>
      %add3A_134 = arith.constant 0 : i32
      %add3A_135 = arith.addi %mul3A_128, %add3A_134 : i32
      %get3A_136 = arith.index_cast %add3A_135 : i32 to index
      %get3A_137 = tpu.vector_load %arg7[%get3A_136] {strides = array<i32>} : memref<25600xf32, #tpu.memory_space<vmem>>, vector<16xf32>,
      %get3A_138 = vector.shape_cast %get3A_137 : vector<16xf32> to vector<16xf32>
      %add3A_139 = arith.addf %mul3A_133, %get3A_138 : vector<16xf32>
      %add3A_140 = arith.constant 16 : i32
      %add3A_141 = arith.addi %mul3A_128, %add3A_140 : i32
      %get3A_142 = arith.index_cast %add3A_141 : i32 to index
      %get3A_143 = tpu.vector_load %arg7[%get3A_142] {strides = array<i32>} : memref<25600xf32, #tpu.memory_space<vmem>>, vector<16xf32>,
      %get3A_144 = vector.shape_cast %get3A_143 : vector<16xf32> to vector<16xf32>
      %add3A_145 = arith.addf %add3A_139, %get3A_144 : vector<16xf32>
      %add3A_146 = arith.constant 32 : i32
      %add3A_147 = arith.addi %mul3A_128, %add3A_146 : i32
      %get3A_148 = arith.index_cast %add3A_147 : i32 to index
      %get3A_149 = tpu.vector_load %arg7[%get3A_148] {strides = array<i32>} : memref<25600xf32, #tpu.memory_space<vmem>>, vector<16xf32>,
      %get3A_150 = vector.shape_cast %get3A_149 : vector<16xf32> to vector<16xf32>
      %add3A_151 = arith.addf %add3A_145, %get3A_150 : vector<16xf32>
      %add3A_152 = arith.constant 48 : i32
      %add3A_153 = arith.addi %mul3A_128, %add3A_152 : i32
      %get3A_154 = arith.index_cast %add3A_153 : i32 to index
      %get3A_155 = tpu.vector_load %arg7[%get3A_154] {strides = array<i32>} : memref<25600xf32, #tpu.memory_space<vmem>>, vector<16xf32>,
      %get3A_156 = vector.shape_cast %get3A_155 : vector<16xf32> to vector<16xf32>
      %add3A_157 = arith.addf %add3A_151, %get3A_156 : vector<16xf32>
      %add3A_158 = arith.constant 64 : i32
      %add3A_159 = arith.addi %mul3A_128, %add3A_158 : i32
      %get3A_160 = arith.index_cast %add3A_159 : i32 to index
      %get3A_161 = tpu.vector_load %arg7[%get3A_160] {strides = array<i32>} : memref<25600xf32, #tpu.memory_space<vmem>>, vector<16xf32>,
      %get3A_162 = vector.shape_cast %get3A_161 : vector<16xf32> to vector<16xf32>
      %add3A_163 = arith.addf %add3A_157, %get3A_162 : vector<16xf32>
      %add3A_164 = arith.constant 80 : i32
      %add3A_165 = arith.addi %mul3A_128, %add3A_164 : i32
      %get3A_166 = arith.index_cast %add3A_165 : i32 to index
      %get3A_167 = tpu.vector_load %arg7[%get3A_166] {strides = array<i32>} : memref<25600xf32, #tpu.memory_space<vmem>>, vector<16xf32>,
      %get3A_168 = vector.shape_cast %get3A_167 : vector<16xf32> to vector<16xf32>
      %add3A_169 = arith.addf %add3A_163, %get3A_168 : vector<16xf32>
      %add3A_170 = arith.constant 96 : i32
      %add3A_171 = arith.addi %mul3A_128, %add3A_170 : i32
      %get3A_172 = arith.index_cast %add3A_171 : i32 to index
      %get3A_173 = tpu.vector_load %arg7[%get3A_172] {strides = array<i32>} : memref<25600xf32, #tpu.memory_space<vmem>>, vector<16xf32>,
      %get3A_174 = vector.shape_cast %get3A_173 : vector<16xf32> to vector<16xf32>
      %add3A_175 = arith.addf %add3A_169, %get3A_174 : vector<16xf32>
      %add3A_176 = arith.constant 112 : i32
      %add3A_177 = arith.addi %mul3A_128, %add3A_176 : i32
      %get3A_178 = arith.index_cast %add3A_177 : i32 to index
      %get3A_179 = tpu.vector_load %arg7[%get3A_178] {strides = array<i32>} : memref<25600xf32, #tpu.memory_space<vmem>>, vector<16xf32>,
      %get3A_180 = vector.shape_cast %get3A_179 : vector<16xf32> to vector<16xf32>
      %add3A_181 = arith.addf %add3A_175, %get3A_180 : vector<16xf32>
      %add3A_182 = arith.constant 128 : i32
      %add3A_183 = arith.addi %mul3A_128, %add3A_182 : i32
      %get3A_184 = arith.index_cast %add3A_183 : i32 to index
      %get3A_185 = tpu.vector_load %arg7[%get3A_184] {strides = array<i32>} : memref<25600xf32, #tpu.memory_space<vmem>>, vector<16xf32>,
      %get3A_186 = vector.shape_cast %get3A_185 : vector<16xf32> to vector<16xf32>
      %add3A_187 = arith.addf %add3A_181, %get3A_186 : vector<16xf32>
      %add3A_188 = arith.constant 144 : i32
      %add3A_189 = arith.addi %mul3A_128, %add3A_188 : i32
      %get3A_190 = arith.index_cast %add3A_189 : i32 to index
      %get3A_191 = tpu.vector_load %arg7[%get3A_190] {strides = array<i32>} : memref<25600xf32, #tpu.memory_space<vmem>>, vector<16xf32>,
      %get3A_192 = vector.shape_cast %get3A_191 : vector<16xf32> to vector<16xf32>
      %add3A_193 = arith.addf %add3A_187, %get3A_192 : vector<16xf32>
      %add3A_194 = arith.constant 160 : i32
      %add3A_195 = arith.addi %mul3A_128, %add3A_194 : i32
      %get3A_196 = arith.index_cast %add3A_195 : i32 to index
      %get3A_197 = tpu.vector_load %arg7[%get3A_196] {strides = array<i32>} : memref<25600xf32, #tpu.memory_space<vmem>>, vector<16xf32>,
      %get3A_198 = vector.shape_cast %get3A_197 : vector<16xf32> to vector<16xf32>
      %add3A_199 = arith.addf %add3A_193, %get3A_198 : vector<16xf32>
      %add3A_200 = arith.constant 176 : i32
      %add3A_201 = arith.addi %mul3A_128, %add3A_200 : i32
      %get3A_202 = arith.index_cast %add3A_201 : i32 to index
      %get3A_203 = tpu.vector_load %arg7[%get3A_202] {strides = array<i32>} : memref<25600xf32, #tpu.memory_space<vmem>>, vector<16xf32>,
      %get3A_204 = vector.shape_cast %get3A_203 : vector<16xf32> to vector<16xf32>
      %add3A_205 = arith.addf %add3A_199, %get3A_204 : vector<16xf32>
      %add3A_206 = arith.constant 0 : i32
      %add3A_207 = arith.addi %add3A_206, %scan3A_126 : i32
      %mul3A_208 = arith.constant 16 : i32
      %mul3A_209 = arith.muli %add3A_207, %mul3A_208 : i32
      %swap3A = arith.index_cast %mul3A_209 : i32 to index
      %swap3A_210 = tpu.vector_load %arg9[%swap3A] {strides = array<i32>} : memref<8192xf32, #tpu.memory_space<vmem>>, vector<16xf32>,
      %swap3A_211 = vector.shape_cast %swap3A_210 : vector<16xf32> to vector<16xf32>
      %swap3A_212 = vector.shape_cast %add3A_205 : vector<16xf32> to vector<16xf32>
      tpu.vector_store %arg9[%swap3A], %swap3A_212 {strides = array<i32>} : memref<8192xf32, #tpu.memory_space<vmem>>, vector<16xf32>,
    }
    %scan3A_61 = arith.constant 128 : i32
    %dma_wait3A_62 = arith.constant 1 : i32
    %dma_wait3A_63 = arith.constant 0 : i32
    %dma_wait3A_64 = tpu.memref_slice %arg3[%dma_wait3A_63] : memref<1000000xf32, #tpu.memory_space<hbm>> -> memref<1000000xf32, #tpu.memory_space<hbm>>
    %dma_wait3A_65 = tpu.memref_slice %arg11[%dma_wait3A_62] : memref<2x!tpu.dma_semaphore, #tpu.memory_space<semaphore_mem>> -> memref<1x!tpu.dma_semaphore, #tpu.memory_space<semaphore_mem>>
    %dma_wait3A_66 = tpu.memref_squeeze %dma_wait3A_65 : memref<1x!tpu.dma_semaphore, #tpu.memory_space<semaphore_mem>> -> memref<!tpu.dma_semaphore, #tpu.memory_space<semaphore_mem>>
    tpu.wait_indirect_dma semaphore(%dma_wait3A_66 : memref<!tpu.dma_semaphore, #tpu.memory_space<semaphore_mem>>) src(%dma_wait3A_64 : memref<1000000xf32, #tpu.memory_space<hbm>>) dst(%arg8 : memref<25600xf32, #tpu.memory_space<vmem>>)
    %dma_wait3A_67 = arith.constant 0 : i32
    %dma_wait3A_68 = tpu.memref_slice %arg2[%add3A_51] : memref<3276800xi32, #tpu.memory_space<hbm>> -> memref<25600xi32, #tpu.memory_space<hbm>>
    %dma_wait3A_69 = tpu.memref_slice %arg10[%dma_wait3A_67] : memref<2x!tpu.dma_semaphore, #tpu.memory_space<semaphore_mem>> -> memref<1x!tpu.dma_semaphore, #tpu.memory_space<semaphore_mem>>
    %dma_wait3A_70 = tpu.memref_squeeze %dma_wait3A_69 : memref<1x!tpu.dma_semaphore, #tpu.memory_space<semaphore_mem>> -> memref<!tpu.dma_semaphore, #tpu.memory_space<semaphore_mem>>
    %dma_wait3A_71 = tpu.memref_slice %arg2[%add3A_51] : memref<3276800xi32, #tpu.memory_space<hbm>> -> memref<25600xi32, #tpu.memory_space<hbm>>
    tpu.wait_dma2 semaphore(%dma_wait3A_70 : memref<!tpu.dma_semaphore, #tpu.memory_space<semaphore_mem>>) src(%dma_wait3A_71 : memref<25600xi32, #tpu.memory_space<hbm>>) dst(%arg5 : memref<25600xi32, #tpu.memory_space<vmem>>)
    %dma_start3A_72 = arith.constant 0 : i32
    %dma_start3A_73 = arith.constant 0 : i32
    %dma_start3A_74 = tpu.memref_slice %arg3[%dma_start3A_73] : memref<1000000xf32, #tpu.memory_space<hbm>> -> memref<1000000xf32, #tpu.memory_space<hbm>>
    %dma_start3A_75 = tpu.memref_slice %arg11[%dma_start3A_72] : memref<2x!tpu.dma_semaphore, #tpu.memory_space<semaphore_mem>> -> memref<1x!tpu.dma_semaphore, #tpu.memory_space<semaphore_mem>>
    %dma_start3A_76 = tpu.memref_squeeze %dma_start3A_75 : memref<1x!tpu.dma_semaphore, #tpu.memory_space<semaphore_mem>> -> memref<!tpu.dma_semaphore, #tpu.memory_space<semaphore_mem>>
    tpu.enqueue_indirect_dma source(%dma_start3A_74 : memref<1000000xf32, #tpu.memory_space<hbm>>) target(%arg7 : memref<25600xf32, #tpu.memory_space<vmem>>) offsets(%arg5 : memref<25600xi32, #tpu.memory_space<vmem>>) semaphore(%dma_start3A_76 : memref<!tpu.dma_semaphore, #tpu.memory_space<semaphore_mem>>)
    %mul3A_77 = arith.constant 200 : i32
    %mul3A_78 = arith.muli %mul3A_2, %mul3A_77 : i32
    %add3A_79 = arith.constant 76800 : i32
    %add3A_80 = arith.addi %mul3A_78, %add3A_79 : i32
    %dma_start3A_81 = arith.constant 1 : i32
    %dma_start3A_82 = tpu.memref_slice %arg2[%add3A_80] : memref<3276800xi32, #tpu.memory_space<hbm>> -> memref<25600xi32, #tpu.memory_space<hbm>>
    %dma_start3A_83 = tpu.memref_slice %arg10[%dma_start3A_81] : memref<2x!tpu.dma_semaphore, #tpu.memory_space<semaphore_mem>> -> memref<1x!tpu.dma_semaphore, #tpu.memory_space<semaphore_mem>>
    %dma_start3A_84 = tpu.memref_squeeze %dma_start3A_83 : memref<1x!tpu.dma_semaphore, #tpu.memory_space<semaphore_mem>> -> memref<!tpu.dma_semaphore, #tpu.memory_space<semaphore_mem>>
    %dma_start3A_85 = tpu.memref_slice %arg2[%add3A_80] : memref<3276800xi32, #tpu.memory_space<hbm>> -> memref<25600xi32, #tpu.memory_space<hbm>>
    tpu.enqueue_dma source(%dma_start3A_85 : memref<25600xi32, #tpu.memory_space<hbm>>) target(%arg6 : memref<25600xi32, #tpu.memory_space<vmem>>) target_semaphore(%dma_start3A_84 : memref<!tpu.dma_semaphore, #tpu.memory_space<semaphore_mem>>)
    %scan3A_86 = arith.constant 0 : i32
    %scan3A_87 = arith.constant 0 : i32
    %scan3A_88 = arith.constant 128 : i32
    %scan3A_89 = arith.addi %scan3A_87, %scan3A_88 : i32
    %scan3A_90 = arith.constant 1 : i32
    scf.for %scan3A_126 = %scan3A_87 to %scan3A_89 step %scan3A_90  : i32 {
      %mul3A_127 = arith.constant 200 : i32
      %mul3A_128 = arith.muli %scan3A_126, %mul3A_127 : i32
      %add3A_129 = arith.constant 184 : i32
      %add3A_130 = arith.addi %mul3A_128, %add3A_129 : i32
      %get3A = arith.index_cast %add3A_130 : i32 to index
      %get3A_131 = tpu.vector_load %arg8[%get3A] {strides = array<i32>} : memref<25600xf32, #tpu.memory_space<vmem>>, vector<16xf32>,
      %get3A_132 = vector.shape_cast %get3A_131 : vector<16xf32> to vector<16xf32>
      %mul3A_133 = arith.mulf %get3A_132, %select_n3A : vector<16xf32>
      %add3A_134 = arith.constant 0 : i32
      %add3A_135 = arith.addi %mul3A_128, %add3A_134 : i32
      %get3A_136 = arith.index_cast %add3A_135 : i32 to index
      %get3A_137 = tpu.vector_load %arg8[%get3A_136] {strides = array<i32>} : memref<25600xf32, #tpu.memory_space<vmem>>, vector<16xf32>,
      %get3A_138 = vector.shape_cast %get3A_137 : vector<16xf32> to vector<16xf32>
      %add3A_139 = arith.addf %mul3A_133, %get3A_138 : vector<16xf32>
      %add3A_140 = arith.constant 16 : i32
      %add3A_141 = arith.addi %mul3A_128, %add3A_140 : i32
      %get3A_142 = arith.index_cast %add3A_141 : i32 to index
      %get3A_143 = tpu.vector_load %arg8[%get3A_142] {strides = array<i32>} : memref<25600xf32, #tpu.memory_space<vmem>>, vector<16xf32>,
      %get3A_144 = vector.shape_cast %get3A_143 : vector<16xf32> to vector<16xf32>
      %add3A_145 = arith.addf %add3A_139, %get3A_144 : vector<16xf32>
      %add3A_146 = arith.constant 32 : i32
      %add3A_147 = arith.addi %mul3A_128, %add3A_146 : i32
      %get3A_148 = arith.index_cast %add3A_147 : i32 to index
      %get3A_149 = tpu.vector_load %arg8[%get3A_148] {strides = array<i32>} : memref<25600xf32, #tpu.memory_space<vmem>>, vector<16xf32>,
      %get3A_150 = vector.shape_cast %get3A_149 : vector<16xf32> to vector<16xf32>
      %add3A_151 = arith.addf %add3A_145, %get3A_150 : vector<16xf32>
      %add3A_152 = arith.constant 48 : i32
      %add3A_153 = arith.addi %mul3A_128, %add3A_152 : i32
      %get3A_154 = arith.index_cast %add3A_153 : i32 to index
      %get3A_155 = tpu.vector_load %arg8[%get3A_154] {strides = array<i32>} : memref<25600xf32, #tpu.memory_space<vmem>>, vector<16xf32>,
      %get3A_156 = vector.shape_cast %get3A_155 : vector<16xf32> to vector<16xf32>
      %add3A_157 = arith.addf %add3A_151, %get3A_156 : vector<16xf32>
      %add3A_158 = arith.constant 64 : i32
      %add3A_159 = arith.addi %mul3A_128, %add3A_158 : i32
      %get3A_160 = arith.index_cast %add3A_159 : i32 to index
      %get3A_161 = tpu.vector_load %arg8[%get3A_160] {strides = array<i32>} : memref<25600xf32, #tpu.memory_space<vmem>>, vector<16xf32>,
      %get3A_162 = vector.shape_cast %get3A_161 : vector<16xf32> to vector<16xf32>
      %add3A_163 = arith.addf %add3A_157, %get3A_162 : vector<16xf32>
      %add3A_164 = arith.constant 80 : i32
      %add3A_165 = arith.addi %mul3A_128, %add3A_164 : i32
      %get3A_166 = arith.index_cast %add3A_165 : i32 to index
      %get3A_167 = tpu.vector_load %arg8[%get3A_166] {strides = array<i32>} : memref<25600xf32, #tpu.memory_space<vmem>>, vector<16xf32>,
      %get3A_168 = vector.shape_cast %get3A_167 : vector<16xf32> to vector<16xf32>
      %add3A_169 = arith.addf %add3A_163, %get3A_168 : vector<16xf32>
      %add3A_170 = arith.constant 96 : i32
      %add3A_171 = arith.addi %mul3A_128, %add3A_170 : i32
      %get3A_172 = arith.index_cast %add3A_171 : i32 to index
      %get3A_173 = tpu.vector_load %arg8[%get3A_172] {strides = array<i32>} : memref<25600xf32, #tpu.memory_space<vmem>>, vector<16xf32>,
      %get3A_174 = vector.shape_cast %get3A_173 : vector<16xf32> to vector<16xf32>
      %add3A_175 = arith.addf %add3A_169, %get3A_174 : vector<16xf32>
      %add3A_176 = arith.constant 112 : i32
      %add3A_177 = arith.addi %mul3A_128, %add3A_176 : i32
      %get3A_178 = arith.index_cast %add3A_177 : i32 to index
      %get3A_179 = tpu.vector_load %arg8[%get3A_178] {strides = array<i32>} : memref<25600xf32, #tpu.memory_space<vmem>>, vector<16xf32>,
      %get3A_180 = vector.shape_cast %get3A_179 : vector<16xf32> to vector<16xf32>
      %add3A_181 = arith.addf %add3A_175, %get3A_180 : vector<16xf32>
      %add3A_182 = arith.constant 128 : i32
      %add3A_183 = arith.addi %mul3A_128, %add3A_182 : i32
      %get3A_184 = arith.index_cast %add3A_183 : i32 to index
      %get3A_185 = tpu.vector_load %arg8[%get3A_184] {strides = array<i32>} : memref<25600xf32, #tpu.memory_space<vmem>>, vector<16xf32>,
      %get3A_186 = vector.shape_cast %get3A_185 : vector<16xf32> to vector<16xf32>
      %add3A_187 = arith.addf %add3A_181, %get3A_186 : vector<16xf32>
      %add3A_188 = arith.constant 144 : i32
      %add3A_189 = arith.addi %mul3A_128, %add3A_188 : i32
      %get3A_190 = arith.index_cast %add3A_189 : i32 to index
      %get3A_191 = tpu.vector_load %arg8[%get3A_190] {strides = array<i32>} : memref<25600xf32, #tpu.memory_space<vmem>>, vector<16xf32>,
      %get3A_192 = vector.shape_cast %get3A_191 : vector<16xf32> to vector<16xf32>
      %add3A_193 = arith.addf %add3A_187, %get3A_192 : vector<16xf32>
      %add3A_194 = arith.constant 160 : i32
      %add3A_195 = arith.addi %mul3A_128, %add3A_194 : i32
      %get3A_196 = arith.index_cast %add3A_195 : i32 to index
      %get3A_197 = tpu.vector_load %arg8[%get3A_196] {strides = array<i32>} : memref<25600xf32, #tpu.memory_space<vmem>>, vector<16xf32>,
      %get3A_198 = vector.shape_cast %get3A_197 : vector<16xf32> to vector<16xf32>
      %add3A_199 = arith.addf %add3A_193, %get3A_198 : vector<16xf32>
      %add3A_200 = arith.constant 176 : i32
      %add3A_201 = arith.addi %mul3A_128, %add3A_200 : i32
      %get3A_202 = arith.index_cast %add3A_201 : i32 to index
      %get3A_203 = tpu.vector_load %arg8[%get3A_202] {strides = array<i32>} : memref<25600xf32, #tpu.memory_space<vmem>>, vector<16xf32>,
      %get3A_204 = vector.shape_cast %get3A_203 : vector<16xf32> to vector<16xf32>
      %add3A_205 = arith.addf %add3A_199, %get3A_204 : vector<16xf32>
      %add3A_206 = arith.constant 128 : i32
      %add3A_207 = arith.addi %add3A_206, %scan3A_126 : i32
      %mul3A_208 = arith.constant 16 : i32
      %mul3A_209 = arith.muli %add3A_207, %mul3A_208 : i32
      %swap3A = arith.index_cast %mul3A_209 : i32 to index
      %swap3A_210 = tpu.vector_load %arg9[%swap3A] {strides = array<i32>} : memref<8192xf32, #tpu.memory_space<vmem>>, vector<16xf32>,
      %swap3A_211 = vector.shape_cast %swap3A_210 : vector<16xf32> to vector<16xf32>
      %swap3A_212 = vector.shape_cast %add3A_205 : vector<16xf32> to vector<16xf32>
      tpu.vector_store %arg9[%swap3A], %swap3A_212 {strides = array<i32>} : memref<8192xf32, #tpu.memory_space<vmem>>, vector<16xf32>,
    }
    %scan3A_91 = arith.constant 128 : i32
    %dma_wait3A_92 = arith.constant 0 : i32
    %dma_wait3A_93 = arith.constant 0 : i32
    %dma_wait3A_94 = tpu.memref_slice %arg3[%dma_wait3A_93] : memref<1000000xf32, #tpu.memory_space<hbm>> -> memref<1000000xf32, #tpu.memory_space<hbm>>
    %dma_wait3A_95 = tpu.memref_slice %arg11[%dma_wait3A_92] : memref<2x!tpu.dma_semaphore, #tpu.memory_space<semaphore_mem>> -> memref<1x!tpu.dma_semaphore, #tpu.memory_space<semaphore_mem>>
    %dma_wait3A_96 = tpu.memref_squeeze %dma_wait3A_95 : memref<1x!tpu.dma_semaphore, #tpu.memory_space<semaphore_mem>> -> memref<!tpu.dma_semaphore, #tpu.memory_space<semaphore_mem>>
    tpu.wait_indirect_dma semaphore(%dma_wait3A_96 : memref<!tpu.dma_semaphore, #tpu.memory_space<semaphore_mem>>) src(%dma_wait3A_94 : memref<1000000xf32, #tpu.memory_space<hbm>>) dst(%arg7 : memref<25600xf32, #tpu.memory_space<vmem>>)
    %dma_wait3A_97 = arith.constant 1 : i32
    %dma_wait3A_98 = tpu.memref_slice %arg2[%add3A_80] : memref<3276800xi32, #tpu.memory_space<hbm>> -> memref<25600xi32, #tpu.memory_space<hbm>>
    %dma_wait3A_99 = tpu.memref_slice %arg10[%dma_wait3A_97] : memref<2x!tpu.dma_semaphore, #tpu.memory_space<semaphore_mem>> -> memref<1x!tpu.dma_semaphore, #tpu.memory_space<semaphore_mem>>
    %dma_wait3A_100 = tpu.memref_squeeze %dma_wait3A_99 : memref<1x!tpu.dma_semaphore, #tpu.memory_space<semaphore_mem>> -> memref<!tpu.dma_semaphore, #tpu.memory_space<semaphore_mem>>
    %dma_wait3A_101 = tpu.memref_slice %arg2[%add3A_80] : memref<3276800xi32, #tpu.memory_space<hbm>> -> memref<25600xi32, #tpu.memory_space<hbm>>
    tpu.wait_dma2 semaphore(%dma_wait3A_100 : memref<!tpu.dma_semaphore, #tpu.memory_space<semaphore_mem>>) src(%dma_wait3A_101 : memref<25600xi32, #tpu.memory_space<hbm>>) dst(%arg6 : memref<25600xi32, #tpu.memory_space<vmem>>)
    %dma_start3A_102 = arith.constant 1 : i32
    %dma_start3A_103 = arith.constant 0 : i32
    %dma_start3A_104 = tpu.memref_slice %arg3[%dma_start3A_103] : memref<1000000xf32, #tpu.memory_space<hbm>> -> memref<1000000xf32, #tpu.memory_space<hbm>>
    %dma_start3A_105 = tpu.memref_slice %arg11[%dma_start3A_102] : memref<2x!tpu.dma_semaphore, #tpu.memory_space<semaphore_mem>> -> memref<1x!tpu.dma_semaphore, #tpu.memory_space<semaphore_mem>>
    %dma_start3A_106 = tpu.memref_squeeze %dma_start3A_105 : memref<1x!tpu.dma_semaphore, #tpu.memory_space<semaphore_mem>> -> memref<!tpu.dma_semaphore, #tpu.memory_space<semaphore_mem>>
    tpu.enqueue_indirect_dma source(%dma_start3A_104 : memref<1000000xf32, #tpu.memory_space<hbm>>) target(%arg8 : memref<25600xf32, #tpu.memory_space<vmem>>) offsets(%arg6 : memref<25600xi32, #tpu.memory_space<vmem>>) semaphore(%dma_start3A_106 : memref<!tpu.dma_semaphore, #tpu.memory_space<semaphore_mem>>)
    %scan3A_107 = arith.constant 0 : i32
    %scan3A_108 = arith.constant 0 : i32
    %scan3A_109 = arith.constant 128 : i32
    %scan3A_110 = arith.addi %scan3A_108, %scan3A_109 : i32
    %scan3A_111 = arith.constant 1 : i32
    scf.for %scan3A_126 = %scan3A_108 to %scan3A_110 step %scan3A_111  : i32 {
      %mul3A_127 = arith.constant 200 : i32
      %mul3A_128 = arith.muli %scan3A_126, %mul3A_127 : i32
      %add3A_129 = arith.constant 184 : i32
      %add3A_130 = arith.addi %mul3A_128, %add3A_129 : i32
      %get3A = arith.index_cast %add3A_130 : i32 to index
      %get3A_131 = tpu.vector_load %arg7[%get3A] {strides = array<i32>} : memref<25600xf32, #tpu.memory_space<vmem>>, vector<16xf32>,
      %get3A_132 = vector.shape_cast %get3A_131 : vector<16xf32> to vector<16xf32>
      %mul3A_133 = arith.mulf %get3A_132, %select_n3A : vector<16xf32>
      %add3A_134 = arith.constant 0 : i32
      %add3A_135 = arith.addi %mul3A_128, %add3A_134 : i32
      %get3A_136 = arith.index_cast %add3A_135 : i32 to index
      %get3A_137 = tpu.vector_load %arg7[%get3A_136] {strides = array<i32>} : memref<25600xf32, #tpu.memory_space<vmem>>, vector<16xf32>,
      %get3A_138 = vector.shape_cast %get3A_137 : vector<16xf32> to vector<16xf32>
      %add3A_139 = arith.addf %mul3A_133, %get3A_138 : vector<16xf32>
      %add3A_140 = arith.constant 16 : i32
      %add3A_141 = arith.addi %mul3A_128, %add3A_140 : i32
      %get3A_142 = arith.index_cast %add3A_141 : i32 to index
      %get3A_143 = tpu.vector_load %arg7[%get3A_142] {strides = array<i32>} : memref<25600xf32, #tpu.memory_space<vmem>>, vector<16xf32>,
      %get3A_144 = vector.shape_cast %get3A_143 : vector<16xf32> to vector<16xf32>
      %add3A_145 = arith.addf %add3A_139, %get3A_144 : vector<16xf32>
      %add3A_146 = arith.constant 32 : i32
      %add3A_147 = arith.addi %mul3A_128, %add3A_146 : i32
      %get3A_148 = arith.index_cast %add3A_147 : i32 to index
      %get3A_149 = tpu.vector_load %arg7[%get3A_148] {strides = array<i32>} : memref<25600xf32, #tpu.memory_space<vmem>>, vector<16xf32>,
      %get3A_150 = vector.shape_cast %get3A_149 : vector<16xf32> to vector<16xf32>
      %add3A_151 = arith.addf %add3A_145, %get3A_150 : vector<16xf32>
      %add3A_152 = arith.constant 48 : i32
      %add3A_153 = arith.addi %mul3A_128, %add3A_152 : i32
      %get3A_154 = arith.index_cast %add3A_153 : i32 to index
      %get3A_155 = tpu.vector_load %arg7[%get3A_154] {strides = array<i32>} : memref<25600xf32, #tpu.memory_space<vmem>>, vector<16xf32>,
      %get3A_156 = vector.shape_cast %get3A_155 : vector<16xf32> to vector<16xf32>
      %add3A_157 = arith.addf %add3A_151, %get3A_156 : vector<16xf32>
      %add3A_158 = arith.constant 64 : i32
      %add3A_159 = arith.addi %mul3A_128, %add3A_158 : i32
      %get3A_160 = arith.index_cast %add3A_159 : i32 to index
      %get3A_161 = tpu.vector_load %arg7[%get3A_160] {strides = array<i32>} : memref<25600xf32, #tpu.memory_space<vmem>>, vector<16xf32>,
      %get3A_162 = vector.shape_cast %get3A_161 : vector<16xf32> to vector<16xf32>
      %add3A_163 = arith.addf %add3A_157, %get3A_162 : vector<16xf32>
      %add3A_164 = arith.constant 80 : i32
      %add3A_165 = arith.addi %mul3A_128, %add3A_164 : i32
      %get3A_166 = arith.index_cast %add3A_165 : i32 to index
      %get3A_167 = tpu.vector_load %arg7[%get3A_166] {strides = array<i32>} : memref<25600xf32, #tpu.memory_space<vmem>>, vector<16xf32>,
      %get3A_168 = vector.shape_cast %get3A_167 : vector<16xf32> to vector<16xf32>
      %add3A_169 = arith.addf %add3A_163, %get3A_168 : vector<16xf32>
      %add3A_170 = arith.constant 96 : i32
      %add3A_171 = arith.addi %mul3A_128, %add3A_170 : i32
      %get3A_172 = arith.index_cast %add3A_171 : i32 to index
      %get3A_173 = tpu.vector_load %arg7[%get3A_172] {strides = array<i32>} : memref<25600xf32, #tpu.memory_space<vmem>>, vector<16xf32>,
      %get3A_174 = vector.shape_cast %get3A_173 : vector<16xf32> to vector<16xf32>
      %add3A_175 = arith.addf %add3A_169, %get3A_174 : vector<16xf32>
      %add3A_176 = arith.constant 112 : i32
      %add3A_177 = arith.addi %mul3A_128, %add3A_176 : i32
      %get3A_178 = arith.index_cast %add3A_177 : i32 to index
      %get3A_179 = tpu.vector_load %arg7[%get3A_178] {strides = array<i32>} : memref<25600xf32, #tpu.memory_space<vmem>>, vector<16xf32>,
      %get3A_180 = vector.shape_cast %get3A_179 : vector<16xf32> to vector<16xf32>
      %add3A_181 = arith.addf %add3A_175, %get3A_180 : vector<16xf32>
      %add3A_182 = arith.constant 128 : i32
      %add3A_183 = arith.addi %mul3A_128, %add3A_182 : i32
      %get3A_184 = arith.index_cast %add3A_183 : i32 to index
      %get3A_185 = tpu.vector_load %arg7[%get3A_184] {strides = array<i32>} : memref<25600xf32, #tpu.memory_space<vmem>>, vector<16xf32>,
      %get3A_186 = vector.shape_cast %get3A_185 : vector<16xf32> to vector<16xf32>
      %add3A_187 = arith.addf %add3A_181, %get3A_186 : vector<16xf32>
      %add3A_188 = arith.constant 144 : i32
      %add3A_189 = arith.addi %mul3A_128, %add3A_188 : i32
      %get3A_190 = arith.index_cast %add3A_189 : i32 to index
      %get3A_191 = tpu.vector_load %arg7[%get3A_190] {strides = array<i32>} : memref<25600xf32, #tpu.memory_space<vmem>>, vector<16xf32>,
      %get3A_192 = vector.shape_cast %get3A_191 : vector<16xf32> to vector<16xf32>
      %add3A_193 = arith.addf %add3A_187, %get3A_192 : vector<16xf32>
      %add3A_194 = arith.constant 160 : i32
      %add3A_195 = arith.addi %mul3A_128, %add3A_194 : i32
      %get3A_196 = arith.index_cast %add3A_195 : i32 to index
      %get3A_197 = tpu.vector_load %arg7[%get3A_196] {strides = array<i32>} : memref<25600xf32, #tpu.memory_space<vmem>>, vector<16xf32>,
      %get3A_198 = vector.shape_cast %get3A_197 : vector<16xf32> to vector<16xf32>
      %add3A_199 = arith.addf %add3A_193, %get3A_198 : vector<16xf32>
      %add3A_200 = arith.constant 176 : i32
      %add3A_201 = arith.addi %mul3A_128, %add3A_200 : i32
      %get3A_202 = arith.index_cast %add3A_201 : i32 to index
      %get3A_203 = tpu.vector_load %arg7[%get3A_202] {strides = array<i32>} : memref<25600xf32, #tpu.memory_space<vmem>>, vector<16xf32>,
      %get3A_204 = vector.shape_cast %get3A_203 : vector<16xf32> to vector<16xf32>
      %add3A_205 = arith.addf %add3A_199, %get3A_204 : vector<16xf32>
      %add3A_206 = arith.constant 256 : i32
      %add3A_207 = arith.addi %add3A_206, %scan3A_126 : i32
      %mul3A_208 = arith.constant 16 : i32
      %mul3A_209 = arith.muli %add3A_207, %mul3A_208 : i32
      %swap3A = arith.index_cast %mul3A_209 : i32 to index
      %swap3A_210 = tpu.vector_load %arg9[%swap3A] {strides = array<i32>} : memref<8192xf32, #tpu.memory_space<vmem>>, vector<16xf32>,
      %swap3A_211 = vector.shape_cast %swap3A_210 : vector<16xf32> to vector<16xf32>
      %swap3A_212 = vector.shape_cast %add3A_205 : vector<16xf32> to vector<16xf32>
      tpu.vector_store %arg9[%swap3A], %swap3A_212 {strides = array<i32>} : memref<8192xf32, #tpu.memory_space<vmem>>, vector<16xf32>,
    }
    %scan3A_112 = arith.constant 128 : i32
    %dma_wait3A_113 = arith.constant 1 : i32
    %dma_wait3A_114 = arith.constant 0 : i32
    %dma_wait3A_115 = tpu.memref_slice %arg3[%dma_wait3A_114] : memref<1000000xf32, #tpu.memory_space<hbm>> -> memref<1000000xf32, #tpu.memory_space<hbm>>
    %dma_wait3A_116 = tpu.memref_slice %arg11[%dma_wait3A_113] : memref<2x!tpu.dma_semaphore, #tpu.memory_space<semaphore_mem>> -> memref<1x!tpu.dma_semaphore, #tpu.memory_space<semaphore_mem>>
    %dma_wait3A_117 = tpu.memref_squeeze %dma_wait3A_116 : memref<1x!tpu.dma_semaphore, #tpu.memory_space<semaphore_mem>> -> memref<!tpu.dma_semaphore, #tpu.memory_space<semaphore_mem>>
    tpu.wait_indirect_dma semaphore(%dma_wait3A_117 : memref<!tpu.dma_semaphore, #tpu.memory_space<semaphore_mem>>) src(%dma_wait3A_115 : memref<1000000xf32, #tpu.memory_space<hbm>>) dst(%arg8 : memref<25600xf32, #tpu.memory_space<vmem>>)
    %scan3A_118 = arith.constant 0 : i32
    %scan3A_119 = arith.constant 0 : i32
    %scan3A_120 = arith.constant 128 : i32
    %scan3A_121 = arith.addi %scan3A_119, %scan3A_120 : i32
    %scan3A_122 = arith.constant 1 : i32
    scf.for %scan3A_126 = %scan3A_119 to %scan3A_121 step %scan3A_122  : i32 {
      %mul3A_127 = arith.constant 200 : i32
      %mul3A_128 = arith.muli %scan3A_126, %mul3A_127 : i32
      %add3A_129 = arith.constant 184 : i32
      %add3A_130 = arith.addi %mul3A_128, %add3A_129 : i32
      %get3A = arith.index_cast %add3A_130 : i32 to index
      %get3A_131 = tpu.vector_load %arg8[%get3A] {strides = array<i32>} : memref<25600xf32, #tpu.memory_space<vmem>>, vector<16xf32>,
      %get3A_132 = vector.shape_cast %get3A_131 : vector<16xf32> to vector<16xf32>
      %mul3A_133 = arith.mulf %get3A_132, %select_n3A : vector<16xf32>
      %add3A_134 = arith.constant 0 : i32
      %add3A_135 = arith.addi %mul3A_128, %add3A_134 : i32
      %get3A_136 = arith.index_cast %add3A_135 : i32 to index
      %get3A_137 = tpu.vector_load %arg8[%get3A_136] {strides = array<i32>} : memref<25600xf32, #tpu.memory_space<vmem>>, vector<16xf32>,
      %get3A_138 = vector.shape_cast %get3A_137 : vector<16xf32> to vector<16xf32>
      %add3A_139 = arith.addf %mul3A_133, %get3A_138 : vector<16xf32>
      %add3A_140 = arith.constant 16 : i32
      %add3A_141 = arith.addi %mul3A_128, %add3A_140 : i32
      %get3A_142 = arith.index_cast %add3A_141 : i32 to index
      %get3A_143 = tpu.vector_load %arg8[%get3A_142] {strides = array<i32>} : memref<25600xf32, #tpu.memory_space<vmem>>, vector<16xf32>,
      %get3A_144 = vector.shape_cast %get3A_143 : vector<16xf32> to vector<16xf32>
      %add3A_145 = arith.addf %add3A_139, %get3A_144 : vector<16xf32>
      %add3A_146 = arith.constant 32 : i32
      %add3A_147 = arith.addi %mul3A_128, %add3A_146 : i32
      %get3A_148 = arith.index_cast %add3A_147 : i32 to index
      %get3A_149 = tpu.vector_load %arg8[%get3A_148] {strides = array<i32>} : memref<25600xf32, #tpu.memory_space<vmem>>, vector<16xf32>,
      %get3A_150 = vector.shape_cast %get3A_149 : vector<16xf32> to vector<16xf32>
      %add3A_151 = arith.addf %add3A_145, %get3A_150 : vector<16xf32>
      %add3A_152 = arith.constant 48 : i32
      %add3A_153 = arith.addi %mul3A_128, %add3A_152 : i32
      %get3A_154 = arith.index_cast %add3A_153 : i32 to index
      %get3A_155 = tpu.vector_load %arg8[%get3A_154] {strides = array<i32>} : memref<25600xf32, #tpu.memory_space<vmem>>, vector<16xf32>,
      %get3A_156 = vector.shape_cast %get3A_155 : vector<16xf32> to vector<16xf32>
      %add3A_157 = arith.addf %add3A_151, %get3A_156 : vector<16xf32>
      %add3A_158 = arith.constant 64 : i32
      %add3A_159 = arith.addi %mul3A_128, %add3A_158 : i32
      %get3A_160 = arith.index_cast %add3A_159 : i32 to index
      %get3A_161 = tpu.vector_load %arg8[%get3A_160] {strides = array<i32>} : memref<25600xf32, #tpu.memory_space<vmem>>, vector<16xf32>,
      %get3A_162 = vector.shape_cast %get3A_161 : vector<16xf32> to vector<16xf32>
      %add3A_163 = arith.addf %add3A_157, %get3A_162 : vector<16xf32>
      %add3A_164 = arith.constant 80 : i32
      %add3A_165 = arith.addi %mul3A_128, %add3A_164 : i32
      %get3A_166 = arith.index_cast %add3A_165 : i32 to index
      %get3A_167 = tpu.vector_load %arg8[%get3A_166] {strides = array<i32>} : memref<25600xf32, #tpu.memory_space<vmem>>, vector<16xf32>,
      %get3A_168 = vector.shape_cast %get3A_167 : vector<16xf32> to vector<16xf32>
      %add3A_169 = arith.addf %add3A_163, %get3A_168 : vector<16xf32>
      %add3A_170 = arith.constant 96 : i32
      %add3A_171 = arith.addi %mul3A_128, %add3A_170 : i32
      %get3A_172 = arith.index_cast %add3A_171 : i32 to index
      %get3A_173 = tpu.vector_load %arg8[%get3A_172] {strides = array<i32>} : memref<25600xf32, #tpu.memory_space<vmem>>, vector<16xf32>,
      %get3A_174 = vector.shape_cast %get3A_173 : vector<16xf32> to vector<16xf32>
      %add3A_175 = arith.addf %add3A_169, %get3A_174 : vector<16xf32>
      %add3A_176 = arith.constant 112 : i32
      %add3A_177 = arith.addi %mul3A_128, %add3A_176 : i32
      %get3A_178 = arith.index_cast %add3A_177 : i32 to index
      %get3A_179 = tpu.vector_load %arg8[%get3A_178] {strides = array<i32>} : memref<25600xf32, #tpu.memory_space<vmem>>, vector<16xf32>,
      %get3A_180 = vector.shape_cast %get3A_179 : vector<16xf32> to vector<16xf32>
      %add3A_181 = arith.addf %add3A_175, %get3A_180 : vector<16xf32>
      %add3A_182 = arith.constant 128 : i32
      %add3A_183 = arith.addi %mul3A_128, %add3A_182 : i32
      %get3A_184 = arith.index_cast %add3A_183 : i32 to index
      %get3A_185 = tpu.vector_load %arg8[%get3A_184] {strides = array<i32>} : memref<25600xf32, #tpu.memory_space<vmem>>, vector<16xf32>,
      %get3A_186 = vector.shape_cast %get3A_185 : vector<16xf32> to vector<16xf32>
      %add3A_187 = arith.addf %add3A_181, %get3A_186 : vector<16xf32>
      %add3A_188 = arith.constant 144 : i32
      %add3A_189 = arith.addi %mul3A_128, %add3A_188 : i32
      %get3A_190 = arith.index_cast %add3A_189 : i32 to index
      %get3A_191 = tpu.vector_load %arg8[%get3A_190] {strides = array<i32>} : memref<25600xf32, #tpu.memory_space<vmem>>, vector<16xf32>,
      %get3A_192 = vector.shape_cast %get3A_191 : vector<16xf32> to vector<16xf32>
      %add3A_193 = arith.addf %add3A_187, %get3A_192 : vector<16xf32>
      %add3A_194 = arith.constant 160 : i32
      %add3A_195 = arith.addi %mul3A_128, %add3A_194 : i32
      %get3A_196 = arith.index_cast %add3A_195 : i32 to index
      %get3A_197 = tpu.vector_load %arg8[%get3A_196] {strides = array<i32>} : memref<25600xf32, #tpu.memory_space<vmem>>, vector<16xf32>,
      %get3A_198 = vector.shape_cast %get3A_197 : vector<16xf32> to vector<16xf32>
      %add3A_199 = arith.addf %add3A_193, %get3A_198 : vector<16xf32>
      %add3A_200 = arith.constant 176 : i32
      %add3A_201 = arith.addi %mul3A_128, %add3A_200 : i32
      %get3A_202 = arith.index_cast %add3A_201 : i32 to index
      %get3A_203 = tpu.vector_load %arg8[%get3A_202] {strides = array<i32>} : memref<25600xf32, #tpu.memory_space<vmem>>, vector<16xf32>,
      %get3A_204 = vector.shape_cast %get3A_203 : vector<16xf32> to vector<16xf32>
      %add3A_205 = arith.addf %add3A_199, %get3A_204 : vector<16xf32>
      %add3A_206 = arith.constant 384 : i32
      %add3A_207 = arith.addi %add3A_206, %scan3A_126 : i32
      %mul3A_208 = arith.constant 16 : i32
      %mul3A_209 = arith.muli %add3A_207, %mul3A_208 : i32
      %swap3A = arith.index_cast %mul3A_209 : i32 to index
      %swap3A_210 = tpu.vector_load %arg9[%swap3A] {strides = array<i32>} : memref<8192xf32, #tpu.memory_space<vmem>>, vector<16xf32>,
      %swap3A_211 = vector.shape_cast %swap3A_210 : vector<16xf32> to vector<16xf32>
      %swap3A_212 = vector.shape_cast %add3A_205 : vector<16xf32> to vector<16xf32>
      tpu.vector_store %arg9[%swap3A], %swap3A_212 {strides = array<i32>} : memref<8192xf32, #tpu.memory_space<vmem>>, vector<16xf32>,
    }
    %scan3A_123 = arith.constant 128 : i32
    %mul3A_124 = arith.constant 16 : i32
    %mul3A_125 = arith.muli %mul3A_2, %mul3A_124 : i32
    "tpu.region"() ({
      %run_scoped3A = tpu.sem_alloc : memref<!tpu.dma_semaphore, #tpu.memory_space<semaphore_mem>>
      %dma_start3A_126 = tpu.memref_slice %arg4[%mul3A_125] : memref<262144xf32, #tpu.memory_space<hbm>> -> memref<8192xf32, #tpu.memory_space<hbm>>
      %dma_start3A_127 = tpu.memref_slice %arg4[%mul3A_125] : memref<262144xf32, #tpu.memory_space<hbm>> -> memref<8192xf32, #tpu.memory_space<hbm>>
      tpu.enqueue_dma source(%arg9 : memref<8192xf32, #tpu.memory_space<vmem>>) target(%dma_start3A_127 : memref<8192xf32, #tpu.memory_space<hbm>>) target_semaphore(%run_scoped3A : memref<!tpu.dma_semaphore, #tpu.memory_space<semaphore_mem>>)
      %dma_wait3A_128 = tpu.memref_slice %arg4[%mul3A_125] : memref<262144xf32, #tpu.memory_space<hbm>> -> memref<8192xf32, #tpu.memory_space<hbm>>
      %dma_wait3A_129 = tpu.memref_slice %arg4[%mul3A_125] : memref<262144xf32, #tpu.memory_space<hbm>> -> memref<8192xf32, #tpu.memory_space<hbm>>
      tpu.wait_dma2 semaphore(%run_scoped3A : memref<!tpu.dma_semaphore, #tpu.memory_space<semaphore_mem>>) src(%arg9 : memref<8192xf32, #tpu.memory_space<vmem>>) dst(%dma_wait3A_129 : memref<8192xf32, #tpu.memory_space<hbm>>)
      tpu.yield
    }) : () -> ()
    return
  }
}

module attributes {stable_mosaic.version = 14 : i64} {
  func.func @_matvec_body(%arg0: memref<1000000x100xf32, #tpu.memory_space<hbm>>, %arg1: memref<1x100xf32, #tpu.memory_space<vmem>>, %arg2: memref<125x8000xf32, #tpu.memory_space<vmem>>, %arg3: memref<6x8000x100xf32, #tpu.memory_space<vmem>>, %arg4: memref<6x!tpu.dma_semaphore, #tpu.memory_space<semaphore_mem>>) attributes {dimension_semantics = [], scalar_prefetch = 0 : i64, scratch_operands = 2 : i64, tpu.core_type = #tpu.core_type<tc>} {
    %dma_start3A = arith.constant 0 : i32
    %dma_start3A_0 = arith.constant 0 : i32
    %dma_start3A_1 = tpu.memref_slice %arg4[%dma_start3A_0] : memref<6x!tpu.dma_semaphore, #tpu.memory_space<semaphore_mem>> -> memref<1x!tpu.dma_semaphore, #tpu.memory_space<semaphore_mem>>
    %dma_start3A_2 = tpu.memref_squeeze %dma_start3A_1 : memref<1x!tpu.dma_semaphore, #tpu.memory_space<semaphore_mem>> -> memref<!tpu.dma_semaphore, #tpu.memory_space<semaphore_mem>>
    %dma_start3A_3 = arith.constant 0 : i32
    %dma_start3A_4 = arith.constant 0 : i32
    %dma_start3A_5 = tpu.memref_slice %arg3[%dma_start3A, %dma_start3A_3, %dma_start3A_4] : memref<6x8000x100xf32, #tpu.memory_space<vmem>> -> memref<1x8000x100xf32, #tpu.memory_space<vmem>>
    %dma_start3A_6 = tpu.memref_squeeze %dma_start3A_5 : memref<1x8000x100xf32, #tpu.memory_space<vmem>> -> memref<8000x100xf32, #tpu.memory_space<vmem>>
    %dma_start3A_7 = arith.constant 0 : i32
    %dma_start3A_8 = arith.constant 0 : i32
    %dma_start3A_9 = tpu.memref_slice %arg0[%dma_start3A_7, %dma_start3A_8] : memref<1000000x100xf32, #tpu.memory_space<hbm>> -> memref<8000x100xf32, #tpu.memory_space<hbm>>
    tpu.enqueue_dma source(%dma_start3A_9 : memref<8000x100xf32, #tpu.memory_space<hbm>>) target(%dma_start3A_6 : memref<8000x100xf32, #tpu.memory_space<vmem>>) target_semaphore(%dma_start3A_2 : memref<!tpu.dma_semaphore, #tpu.memory_space<semaphore_mem>>)
    %dma_start3A_10 = arith.constant 1 : i32
    %dma_start3A_11 = arith.constant 1 : i32
    %dma_start3A_12 = tpu.memref_slice %arg4[%dma_start3A_11] : memref<6x!tpu.dma_semaphore, #tpu.memory_space<semaphore_mem>> -> memref<1x!tpu.dma_semaphore, #tpu.memory_space<semaphore_mem>>
    %dma_start3A_13 = tpu.memref_squeeze %dma_start3A_12 : memref<1x!tpu.dma_semaphore, #tpu.memory_space<semaphore_mem>> -> memref<!tpu.dma_semaphore, #tpu.memory_space<semaphore_mem>>
    %dma_start3A_14 = arith.constant 0 : i32
    %dma_start3A_15 = arith.constant 0 : i32
    %dma_start3A_16 = tpu.memref_slice %arg3[%dma_start3A_10, %dma_start3A_14, %dma_start3A_15] : memref<6x8000x100xf32, #tpu.memory_space<vmem>> -> memref<1x8000x100xf32, #tpu.memory_space<vmem>>
    %dma_start3A_17 = tpu.memref_squeeze %dma_start3A_16 : memref<1x8000x100xf32, #tpu.memory_space<vmem>> -> memref<8000x100xf32, #tpu.memory_space<vmem>>
    %dma_start3A_18 = arith.constant 8000 : i32
    %dma_start3A_19 = arith.constant 0 : i32
    %dma_start3A_20 = tpu.memref_slice %arg0[%dma_start3A_18, %dma_start3A_19] : memref<1000000x100xf32, #tpu.memory_space<hbm>> -> memref<8000x100xf32, #tpu.memory_space<hbm>>
    tpu.enqueue_dma source(%dma_start3A_20 : memref<8000x100xf32, #tpu.memory_space<hbm>>) target(%dma_start3A_17 : memref<8000x100xf32, #tpu.memory_space<vmem>>) target_semaphore(%dma_start3A_13 : memref<!tpu.dma_semaphore, #tpu.memory_space<semaphore_mem>>)
    %dma_start3A_21 = arith.constant 2 : i32
    %dma_start3A_22 = arith.constant 2 : i32
    %dma_start3A_23 = tpu.memref_slice %arg4[%dma_start3A_22] : memref<6x!tpu.dma_semaphore, #tpu.memory_space<semaphore_mem>> -> memref<1x!tpu.dma_semaphore, #tpu.memory_space<semaphore_mem>>
    %dma_start3A_24 = tpu.memref_squeeze %dma_start3A_23 : memref<1x!tpu.dma_semaphore, #tpu.memory_space<semaphore_mem>> -> memref<!tpu.dma_semaphore, #tpu.memory_space<semaphore_mem>>
    %dma_start3A_25 = arith.constant 0 : i32
    %dma_start3A_26 = arith.constant 0 : i32
    %dma_start3A_27 = tpu.memref_slice %arg3[%dma_start3A_21, %dma_start3A_25, %dma_start3A_26] : memref<6x8000x100xf32, #tpu.memory_space<vmem>> -> memref<1x8000x100xf32, #tpu.memory_space<vmem>>
    %dma_start3A_28 = tpu.memref_squeeze %dma_start3A_27 : memref<1x8000x100xf32, #tpu.memory_space<vmem>> -> memref<8000x100xf32, #tpu.memory_space<vmem>>
    %dma_start3A_29 = arith.constant 16000 : i32
    %dma_start3A_30 = arith.constant 0 : i32
    %dma_start3A_31 = tpu.memref_slice %arg0[%dma_start3A_29, %dma_start3A_30] : memref<1000000x100xf32, #tpu.memory_space<hbm>> -> memref<8000x100xf32, #tpu.memory_space<hbm>>
    tpu.enqueue_dma source(%dma_start3A_31 : memref<8000x100xf32, #tpu.memory_space<hbm>>) target(%dma_start3A_28 : memref<8000x100xf32, #tpu.memory_space<vmem>>) target_semaphore(%dma_start3A_24 : memref<!tpu.dma_semaphore, #tpu.memory_space<semaphore_mem>>)
    %dma_start3A_32 = arith.constant 3 : i32
    %dma_start3A_33 = arith.constant 3 : i32
    %dma_start3A_34 = tpu.memref_slice %arg4[%dma_start3A_33] : memref<6x!tpu.dma_semaphore, #tpu.memory_space<semaphore_mem>> -> memref<1x!tpu.dma_semaphore, #tpu.memory_space<semaphore_mem>>
    %dma_start3A_35 = tpu.memref_squeeze %dma_start3A_34 : memref<1x!tpu.dma_semaphore, #tpu.memory_space<semaphore_mem>> -> memref<!tpu.dma_semaphore, #tpu.memory_space<semaphore_mem>>
    %dma_start3A_36 = arith.constant 0 : i32
    %dma_start3A_37 = arith.constant 0 : i32
    %dma_start3A_38 = tpu.memref_slice %arg3[%dma_start3A_32, %dma_start3A_36, %dma_start3A_37] : memref<6x8000x100xf32, #tpu.memory_space<vmem>> -> memref<1x8000x100xf32, #tpu.memory_space<vmem>>
    %dma_start3A_39 = tpu.memref_squeeze %dma_start3A_38 : memref<1x8000x100xf32, #tpu.memory_space<vmem>> -> memref<8000x100xf32, #tpu.memory_space<vmem>>
    %dma_start3A_40 = arith.constant 24000 : i32
    %dma_start3A_41 = arith.constant 0 : i32
    %dma_start3A_42 = tpu.memref_slice %arg0[%dma_start3A_40, %dma_start3A_41] : memref<1000000x100xf32, #tpu.memory_space<hbm>> -> memref<8000x100xf32, #tpu.memory_space<hbm>>
    tpu.enqueue_dma source(%dma_start3A_42 : memref<8000x100xf32, #tpu.memory_space<hbm>>) target(%dma_start3A_39 : memref<8000x100xf32, #tpu.memory_space<vmem>>) target_semaphore(%dma_start3A_35 : memref<!tpu.dma_semaphore, #tpu.memory_space<semaphore_mem>>)
    %dma_start3A_43 = arith.constant 4 : i32
    %dma_start3A_44 = arith.constant 4 : i32
    %dma_start3A_45 = tpu.memref_slice %arg4[%dma_start3A_44] : memref<6x!tpu.dma_semaphore, #tpu.memory_space<semaphore_mem>> -> memref<1x!tpu.dma_semaphore, #tpu.memory_space<semaphore_mem>>
    %dma_start3A_46 = tpu.memref_squeeze %dma_start3A_45 : memref<1x!tpu.dma_semaphore, #tpu.memory_space<semaphore_mem>> -> memref<!tpu.dma_semaphore, #tpu.memory_space<semaphore_mem>>
    %dma_start3A_47 = arith.constant 0 : i32
    %dma_start3A_48 = arith.constant 0 : i32
    %dma_start3A_49 = tpu.memref_slice %arg3[%dma_start3A_43, %dma_start3A_47, %dma_start3A_48] : memref<6x8000x100xf32, #tpu.memory_space<vmem>> -> memref<1x8000x100xf32, #tpu.memory_space<vmem>>
    %dma_start3A_50 = tpu.memref_squeeze %dma_start3A_49 : memref<1x8000x100xf32, #tpu.memory_space<vmem>> -> memref<8000x100xf32, #tpu.memory_space<vmem>>
    %dma_start3A_51 = arith.constant 32000 : i32
    %dma_start3A_52 = arith.constant 0 : i32
    %dma_start3A_53 = tpu.memref_slice %arg0[%dma_start3A_51, %dma_start3A_52] : memref<1000000x100xf32, #tpu.memory_space<hbm>> -> memref<8000x100xf32, #tpu.memory_space<hbm>>
    tpu.enqueue_dma source(%dma_start3A_53 : memref<8000x100xf32, #tpu.memory_space<hbm>>) target(%dma_start3A_50 : memref<8000x100xf32, #tpu.memory_space<vmem>>) target_semaphore(%dma_start3A_46 : memref<!tpu.dma_semaphore, #tpu.memory_space<semaphore_mem>>)
    %dma_start3A_54 = arith.constant 5 : i32
    %dma_start3A_55 = arith.constant 5 : i32
    %dma_start3A_56 = tpu.memref_slice %arg4[%dma_start3A_55] : memref<6x!tpu.dma_semaphore, #tpu.memory_space<semaphore_mem>> -> memref<1x!tpu.dma_semaphore, #tpu.memory_space<semaphore_mem>>
    %dma_start3A_57 = tpu.memref_squeeze %dma_start3A_56 : memref<1x!tpu.dma_semaphore, #tpu.memory_space<semaphore_mem>> -> memref<!tpu.dma_semaphore, #tpu.memory_space<semaphore_mem>>
    %dma_start3A_58 = arith.constant 0 : i32
    %dma_start3A_59 = arith.constant 0 : i32
    %dma_start3A_60 = tpu.memref_slice %arg3[%dma_start3A_54, %dma_start3A_58, %dma_start3A_59] : memref<6x8000x100xf32, #tpu.memory_space<vmem>> -> memref<1x8000x100xf32, #tpu.memory_space<vmem>>
    %dma_start3A_61 = tpu.memref_squeeze %dma_start3A_60 : memref<1x8000x100xf32, #tpu.memory_space<vmem>> -> memref<8000x100xf32, #tpu.memory_space<vmem>>
    %dma_start3A_62 = arith.constant 40000 : i32
    %dma_start3A_63 = arith.constant 0 : i32
    %dma_start3A_64 = tpu.memref_slice %arg0[%dma_start3A_62, %dma_start3A_63] : memref<1000000x100xf32, #tpu.memory_space<hbm>> -> memref<8000x100xf32, #tpu.memory_space<hbm>>
    tpu.enqueue_dma source(%dma_start3A_64 : memref<8000x100xf32, #tpu.memory_space<hbm>>) target(%dma_start3A_61 : memref<8000x100xf32, #tpu.memory_space<vmem>>) target_semaphore(%dma_start3A_57 : memref<!tpu.dma_semaphore, #tpu.memory_space<semaphore_mem>>)
    %scan3A = arith.constant 0 : i32
    %scan3A_65 = arith.constant 20 : i32
    %scan3A_66 = arith.addi %scan3A, %scan3A_65 : i32
    %scan3A_67 = arith.constant 1 : i32
    scf.for %scan3A_199 = %scan3A to %scan3A_66 step %scan3A_67  : i32 {
      %mul3A_200 = arith.constant 6 : i32
      %mul3A_201 = arith.muli %scan3A_199, %mul3A_200 : i32
      %add3A = arith.constant 0 : i32
      %add3A_202 = arith.addi %mul3A_201, %add3A : i32
      %mul3A_203 = arith.constant 8000 : i32
      %mul3A_204 = arith.muli %add3A_202, %mul3A_203 : i32
      %dma_wait3A_205 = arith.constant 0 : i32
      %dma_wait3A_206 = arith.constant 0 : i32
      %dma_wait3A_207 = tpu.memref_slice %arg4[%dma_wait3A_206] : memref<6x!tpu.dma_semaphore, #tpu.memory_space<semaphore_mem>> -> memref<1x!tpu.dma_semaphore, #tpu.memory_space<semaphore_mem>>
      %dma_wait3A_208 = tpu.memref_squeeze %dma_wait3A_207 : memref<1x!tpu.dma_semaphore, #tpu.memory_space<semaphore_mem>> -> memref<!tpu.dma_semaphore, #tpu.memory_space<semaphore_mem>>
      %dma_wait3A_209 = arith.constant 0 : i32
      %dma_wait3A_210 = arith.constant 0 : i32
      %dma_wait3A_211 = tpu.memref_slice %arg3[%dma_wait3A_205, %dma_wait3A_209, %dma_wait3A_210] : memref<6x8000x100xf32, #tpu.memory_space<vmem>> -> memref<1x8000x100xf32, #tpu.memory_space<vmem>>
      %dma_wait3A_212 = tpu.memref_squeeze %dma_wait3A_211 : memref<1x8000x100xf32, #tpu.memory_space<vmem>> -> memref<8000x100xf32, #tpu.memory_space<vmem>>
      %dma_wait3A_213 = arith.constant 0 : i32
      %dma_wait3A_214 = tpu.memref_slice %arg0[%mul3A_204, %dma_wait3A_213] : memref<1000000x100xf32, #tpu.memory_space<hbm>> -> memref<8000x100xf32, #tpu.memory_space<hbm>>
      tpu.wait_dma2 semaphore(%dma_wait3A_208 : memref<!tpu.dma_semaphore, #tpu.memory_space<semaphore_mem>>) src(%dma_wait3A_214 : memref<8000x100xf32, #tpu.memory_space<hbm>>) dst(%dma_wait3A_212 : memref<8000x100xf32, #tpu.memory_space<vmem>>)
      %get3A_215 = arith.constant 0 : index
      %get3A_216 = arith.constant 0 : index
      %get3A_217 = vector.load %arg1[%get3A_215, %get3A_216] : memref<1x100xf32, #tpu.memory_space<vmem>>, vector<1x100xf32>
      %get3A_218 = arith.constant 0 : index
      %get3A_219 = arith.constant 0 : index
      %get3A_220 = arith.constant 0 : index
      %get3A_221 = vector.load %arg3[%get3A_218, %get3A_219, %get3A_220] : memref<6x8000x100xf32, #tpu.memory_space<vmem>>, vector<1x8000x100xf32>
      %get3A_222 = vector.shape_cast %get3A_221 : vector<1x8000x100xf32> to vector<8000x100xf32>
      %dot_general3A_223 = arith.constant dense<0.000000e+00> : vector<1x8000xf32>
      %dot_general3A_224 = tpu.matmul %get3A_217, %get3A_222, %dot_general3A_223 {dimension_numbers = #tpu.dot_dimension_numbers<[1], [1], [0], [0], [0, 0, 1, 0], [], []>, transpose_lhs_hint = false} : vector<1x100xf32>, vector<8000x100xf32>, vector<1x8000xf32> -> vector<1x8000xf32>
      %mul3A_225 = arith.constant 5.000000e-03 : f32
      %mul3A_226 = vector.broadcast %mul3A_225 : f32 to vector<1x8000xf32>
      %mul3A_227 = arith.mulf %dot_general3A_224, %mul3A_226 : vector<1x8000xf32>
      %swap3A_228 = arith.index_cast %add3A_202 : i32 to index
      %swap3A_229 = arith.constant 0 : index
      %swap3A_230 = vector.load %arg2[%swap3A_228, %swap3A_229] : memref<125x8000xf32, #tpu.memory_space<vmem>>, vector<1x8000xf32>
      tpu.vector_store %arg2[%swap3A_228, %swap3A_229], %mul3A_227 {strides = array<i32>} : memref<125x8000xf32, #tpu.memory_space<vmem>>, vector<1x8000xf32>,
      %add3A_231 = arith.constant 6 : i32
      %add3A_232 = arith.addi %add3A_202, %add3A_231 : i32
      %lt3A = arith.constant 125 : i32
      %lt3A_233 = arith.cmpi slt, %add3A_232, %lt3A : i32
      %convert_element_type3A = arith.extui %lt3A_233 : i1 to i32
      %cond3A = arith.constant 0 : i32
      %cond3A_234 = arith.cmpi ne, %convert_element_type3A, %cond3A : i32
      scf.if %cond3A_234 {
        %mul3A_420 = arith.constant 8000 : i32
        %mul3A_421 = arith.muli %add3A_232, %mul3A_420 : i32
        %dma_start3A_422 = arith.constant 0 : i32
        %dma_start3A_423 = arith.constant 0 : i32
        %dma_start3A_424 = tpu.memref_slice %arg4[%dma_start3A_423] : memref<6x!tpu.dma_semaphore, #tpu.memory_space<semaphore_mem>> -> memref<1x!tpu.dma_semaphore, #tpu.memory_space<semaphore_mem>>
        %dma_start3A_425 = tpu.memref_squeeze %dma_start3A_424 : memref<1x!tpu.dma_semaphore, #tpu.memory_space<semaphore_mem>> -> memref<!tpu.dma_semaphore, #tpu.memory_space<semaphore_mem>>
        %dma_start3A_426 = arith.constant 0 : i32
        %dma_start3A_427 = arith.constant 0 : i32
        %dma_start3A_428 = tpu.memref_slice %arg3[%dma_start3A_422, %dma_start3A_426, %dma_start3A_427] : memref<6x8000x100xf32, #tpu.memory_space<vmem>> -> memref<1x8000x100xf32, #tpu.memory_space<vmem>>
        %dma_start3A_429 = tpu.memref_squeeze %dma_start3A_428 : memref<1x8000x100xf32, #tpu.memory_space<vmem>> -> memref<8000x100xf32, #tpu.memory_space<vmem>>
        %dma_start3A_430 = arith.constant 0 : i32
        %dma_start3A_431 = tpu.memref_slice %arg0[%mul3A_421, %dma_start3A_430] : memref<1000000x100xf32, #tpu.memory_space<hbm>> -> memref<8000x100xf32, #tpu.memory_space<hbm>>
        tpu.enqueue_dma source(%dma_start3A_431 : memref<8000x100xf32, #tpu.memory_space<hbm>>) target(%dma_start3A_429 : memref<8000x100xf32, #tpu.memory_space<vmem>>) target_semaphore(%dma_start3A_425 : memref<!tpu.dma_semaphore, #tpu.memory_space<semaphore_mem>>)
      } else {
      }
      %add3A_235 = arith.constant 1 : i32
      %add3A_236 = arith.addi %mul3A_201, %add3A_235 : i32
      %mul3A_237 = arith.constant 8000 : i32
      %mul3A_238 = arith.muli %add3A_236, %mul3A_237 : i32
      %dma_wait3A_239 = arith.constant 1 : i32
      %dma_wait3A_240 = arith.constant 1 : i32
      %dma_wait3A_241 = tpu.memref_slice %arg4[%dma_wait3A_240] : memref<6x!tpu.dma_semaphore, #tpu.memory_space<semaphore_mem>> -> memref<1x!tpu.dma_semaphore, #tpu.memory_space<semaphore_mem>>
      %dma_wait3A_242 = tpu.memref_squeeze %dma_wait3A_241 : memref<1x!tpu.dma_semaphore, #tpu.memory_space<semaphore_mem>> -> memref<!tpu.dma_semaphore, #tpu.memory_space<semaphore_mem>>
      %dma_wait3A_243 = arith.constant 0 : i32
      %dma_wait3A_244 = arith.constant 0 : i32
      %dma_wait3A_245 = tpu.memref_slice %arg3[%dma_wait3A_239, %dma_wait3A_243, %dma_wait3A_244] : memref<6x8000x100xf32, #tpu.memory_space<vmem>> -> memref<1x8000x100xf32, #tpu.memory_space<vmem>>
      %dma_wait3A_246 = tpu.memref_squeeze %dma_wait3A_245 : memref<1x8000x100xf32, #tpu.memory_space<vmem>> -> memref<8000x100xf32, #tpu.memory_space<vmem>>
      %dma_wait3A_247 = arith.constant 0 : i32
      %dma_wait3A_248 = tpu.memref_slice %arg0[%mul3A_238, %dma_wait3A_247] : memref<1000000x100xf32, #tpu.memory_space<hbm>> -> memref<8000x100xf32, #tpu.memory_space<hbm>>
      tpu.wait_dma2 semaphore(%dma_wait3A_242 : memref<!tpu.dma_semaphore, #tpu.memory_space<semaphore_mem>>) src(%dma_wait3A_248 : memref<8000x100xf32, #tpu.memory_space<hbm>>) dst(%dma_wait3A_246 : memref<8000x100xf32, #tpu.memory_space<vmem>>)
      %get3A_249 = arith.constant 0 : index
      %get3A_250 = arith.constant 0 : index
      %get3A_251 = vector.load %arg1[%get3A_249, %get3A_250] : memref<1x100xf32, #tpu.memory_space<vmem>>, vector<1x100xf32>
      %get3A_252 = arith.constant 1 : index
      %get3A_253 = arith.constant 0 : index
      %get3A_254 = arith.constant 0 : index
      %get3A_255 = vector.load %arg3[%get3A_252, %get3A_253, %get3A_254] : memref<6x8000x100xf32, #tpu.memory_space<vmem>>, vector<1x8000x100xf32>
      %get3A_256 = vector.shape_cast %get3A_255 : vector<1x8000x100xf32> to vector<8000x100xf32>
      %dot_general3A_257 = arith.constant dense<0.000000e+00> : vector<1x8000xf32>
      %dot_general3A_258 = tpu.matmul %get3A_251, %get3A_256, %dot_general3A_257 {dimension_numbers = #tpu.dot_dimension_numbers<[1], [1], [0], [0], [0, 0, 1, 0], [], []>, transpose_lhs_hint = false} : vector<1x100xf32>, vector<8000x100xf32>, vector<1x8000xf32> -> vector<1x8000xf32>
      %mul3A_259 = arith.constant 5.000000e-03 : f32
      %mul3A_260 = vector.broadcast %mul3A_259 : f32 to vector<1x8000xf32>
      %mul3A_261 = arith.mulf %dot_general3A_258, %mul3A_260 : vector<1x8000xf32>
      %swap3A_262 = arith.index_cast %add3A_236 : i32 to index
      %swap3A_263 = arith.constant 0 : index
      %swap3A_264 = vector.load %arg2[%swap3A_262, %swap3A_263] : memref<125x8000xf32, #tpu.memory_space<vmem>>, vector<1x8000xf32>
      tpu.vector_store %arg2[%swap3A_262, %swap3A_263], %mul3A_261 {strides = array<i32>} : memref<125x8000xf32, #tpu.memory_space<vmem>>, vector<1x8000xf32>,
      %add3A_265 = arith.constant 6 : i32
      %add3A_266 = arith.addi %add3A_236, %add3A_265 : i32
      %lt3A_267 = arith.constant 125 : i32
      %lt3A_268 = arith.cmpi slt, %add3A_266, %lt3A_267 : i32
      %convert_element_type3A_269 = arith.extui %lt3A_268 : i1 to i32
      %cond3A_270 = arith.constant 0 : i32
      %cond3A_271 = arith.cmpi ne, %convert_element_type3A_269, %cond3A_270 : i32
      scf.if %cond3A_271 {
        %mul3A_420 = arith.constant 8000 : i32
        %mul3A_421 = arith.muli %add3A_266, %mul3A_420 : i32
        %dma_start3A_422 = arith.constant 1 : i32
        %dma_start3A_423 = arith.constant 1 : i32
        %dma_start3A_424 = tpu.memref_slice %arg4[%dma_start3A_423] : memref<6x!tpu.dma_semaphore, #tpu.memory_space<semaphore_mem>> -> memref<1x!tpu.dma_semaphore, #tpu.memory_space<semaphore_mem>>
        %dma_start3A_425 = tpu.memref_squeeze %dma_start3A_424 : memref<1x!tpu.dma_semaphore, #tpu.memory_space<semaphore_mem>> -> memref<!tpu.dma_semaphore, #tpu.memory_space<semaphore_mem>>
        %dma_start3A_426 = arith.constant 0 : i32
        %dma_start3A_427 = arith.constant 0 : i32
        %dma_start3A_428 = tpu.memref_slice %arg3[%dma_start3A_422, %dma_start3A_426, %dma_start3A_427] : memref<6x8000x100xf32, #tpu.memory_space<vmem>> -> memref<1x8000x100xf32, #tpu.memory_space<vmem>>
        %dma_start3A_429 = tpu.memref_squeeze %dma_start3A_428 : memref<1x8000x100xf32, #tpu.memory_space<vmem>> -> memref<8000x100xf32, #tpu.memory_space<vmem>>
        %dma_start3A_430 = arith.constant 0 : i32
        %dma_start3A_431 = tpu.memref_slice %arg0[%mul3A_421, %dma_start3A_430] : memref<1000000x100xf32, #tpu.memory_space<hbm>> -> memref<8000x100xf32, #tpu.memory_space<hbm>>
        tpu.enqueue_dma source(%dma_start3A_431 : memref<8000x100xf32, #tpu.memory_space<hbm>>) target(%dma_start3A_429 : memref<8000x100xf32, #tpu.memory_space<vmem>>) target_semaphore(%dma_start3A_425 : memref<!tpu.dma_semaphore, #tpu.memory_space<semaphore_mem>>)
      } else {
      }
      %add3A_272 = arith.constant 2 : i32
      %add3A_273 = arith.addi %mul3A_201, %add3A_272 : i32
      %mul3A_274 = arith.constant 8000 : i32
      %mul3A_275 = arith.muli %add3A_273, %mul3A_274 : i32
      %dma_wait3A_276 = arith.constant 2 : i32
      %dma_wait3A_277 = arith.constant 2 : i32
      %dma_wait3A_278 = tpu.memref_slice %arg4[%dma_wait3A_277] : memref<6x!tpu.dma_semaphore, #tpu.memory_space<semaphore_mem>> -> memref<1x!tpu.dma_semaphore, #tpu.memory_space<semaphore_mem>>
      %dma_wait3A_279 = tpu.memref_squeeze %dma_wait3A_278 : memref<1x!tpu.dma_semaphore, #tpu.memory_space<semaphore_mem>> -> memref<!tpu.dma_semaphore, #tpu.memory_space<semaphore_mem>>
      %dma_wait3A_280 = arith.constant 0 : i32
      %dma_wait3A_281 = arith.constant 0 : i32
      %dma_wait3A_282 = tpu.memref_slice %arg3[%dma_wait3A_276, %dma_wait3A_280, %dma_wait3A_281] : memref<6x8000x100xf32, #tpu.memory_space<vmem>> -> memref<1x8000x100xf32, #tpu.memory_space<vmem>>
      %dma_wait3A_283 = tpu.memref_squeeze %dma_wait3A_282 : memref<1x8000x100xf32, #tpu.memory_space<vmem>> -> memref<8000x100xf32, #tpu.memory_space<vmem>>
      %dma_wait3A_284 = arith.constant 0 : i32
      %dma_wait3A_285 = tpu.memref_slice %arg0[%mul3A_275, %dma_wait3A_284] : memref<1000000x100xf32, #tpu.memory_space<hbm>> -> memref<8000x100xf32, #tpu.memory_space<hbm>>
      tpu.wait_dma2 semaphore(%dma_wait3A_279 : memref<!tpu.dma_semaphore, #tpu.memory_space<semaphore_mem>>) src(%dma_wait3A_285 : memref<8000x100xf32, #tpu.memory_space<hbm>>) dst(%dma_wait3A_283 : memref<8000x100xf32, #tpu.memory_space<vmem>>)
      %get3A_286 = arith.constant 0 : index
      %get3A_287 = arith.constant 0 : index
      %get3A_288 = vector.load %arg1[%get3A_286, %get3A_287] : memref<1x100xf32, #tpu.memory_space<vmem>>, vector<1x100xf32>
      %get3A_289 = arith.constant 2 : index
      %get3A_290 = arith.constant 0 : index
      %get3A_291 = arith.constant 0 : index
      %get3A_292 = vector.load %arg3[%get3A_289, %get3A_290, %get3A_291] : memref<6x8000x100xf32, #tpu.memory_space<vmem>>, vector<1x8000x100xf32>
      %get3A_293 = vector.shape_cast %get3A_292 : vector<1x8000x100xf32> to vector<8000x100xf32>
      %dot_general3A_294 = arith.constant dense<0.000000e+00> : vector<1x8000xf32>
      %dot_general3A_295 = tpu.matmul %get3A_288, %get3A_293, %dot_general3A_294 {dimension_numbers = #tpu.dot_dimension_numbers<[1], [1], [0], [0], [0, 0, 1, 0], [], []>, transpose_lhs_hint = false} : vector<1x100xf32>, vector<8000x100xf32>, vector<1x8000xf32> -> vector<1x8000xf32>
      %mul3A_296 = arith.constant 5.000000e-03 : f32
      %mul3A_297 = vector.broadcast %mul3A_296 : f32 to vector<1x8000xf32>
      %mul3A_298 = arith.mulf %dot_general3A_295, %mul3A_297 : vector<1x8000xf32>
      %swap3A_299 = arith.index_cast %add3A_273 : i32 to index
      %swap3A_300 = arith.constant 0 : index
      %swap3A_301 = vector.load %arg2[%swap3A_299, %swap3A_300] : memref<125x8000xf32, #tpu.memory_space<vmem>>, vector<1x8000xf32>
      tpu.vector_store %arg2[%swap3A_299, %swap3A_300], %mul3A_298 {strides = array<i32>} : memref<125x8000xf32, #tpu.memory_space<vmem>>, vector<1x8000xf32>,
      %add3A_302 = arith.constant 6 : i32
      %add3A_303 = arith.addi %add3A_273, %add3A_302 : i32
      %lt3A_304 = arith.constant 125 : i32
      %lt3A_305 = arith.cmpi slt, %add3A_303, %lt3A_304 : i32
      %convert_element_type3A_306 = arith.extui %lt3A_305 : i1 to i32
      %cond3A_307 = arith.constant 0 : i32
      %cond3A_308 = arith.cmpi ne, %convert_element_type3A_306, %cond3A_307 : i32
      scf.if %cond3A_308 {
        %mul3A_420 = arith.constant 8000 : i32
        %mul3A_421 = arith.muli %add3A_303, %mul3A_420 : i32
        %dma_start3A_422 = arith.constant 2 : i32
        %dma_start3A_423 = arith.constant 2 : i32
        %dma_start3A_424 = tpu.memref_slice %arg4[%dma_start3A_423] : memref<6x!tpu.dma_semaphore, #tpu.memory_space<semaphore_mem>> -> memref<1x!tpu.dma_semaphore, #tpu.memory_space<semaphore_mem>>
        %dma_start3A_425 = tpu.memref_squeeze %dma_start3A_424 : memref<1x!tpu.dma_semaphore, #tpu.memory_space<semaphore_mem>> -> memref<!tpu.dma_semaphore, #tpu.memory_space<semaphore_mem>>
        %dma_start3A_426 = arith.constant 0 : i32
        %dma_start3A_427 = arith.constant 0 : i32
        %dma_start3A_428 = tpu.memref_slice %arg3[%dma_start3A_422, %dma_start3A_426, %dma_start3A_427] : memref<6x8000x100xf32, #tpu.memory_space<vmem>> -> memref<1x8000x100xf32, #tpu.memory_space<vmem>>
        %dma_start3A_429 = tpu.memref_squeeze %dma_start3A_428 : memref<1x8000x100xf32, #tpu.memory_space<vmem>> -> memref<8000x100xf32, #tpu.memory_space<vmem>>
        %dma_start3A_430 = arith.constant 0 : i32
        %dma_start3A_431 = tpu.memref_slice %arg0[%mul3A_421, %dma_start3A_430] : memref<1000000x100xf32, #tpu.memory_space<hbm>> -> memref<8000x100xf32, #tpu.memory_space<hbm>>
        tpu.enqueue_dma source(%dma_start3A_431 : memref<8000x100xf32, #tpu.memory_space<hbm>>) target(%dma_start3A_429 : memref<8000x100xf32, #tpu.memory_space<vmem>>) target_semaphore(%dma_start3A_425 : memref<!tpu.dma_semaphore, #tpu.memory_space<semaphore_mem>>)
      } else {
      }
      %add3A_309 = arith.constant 3 : i32
      %add3A_310 = arith.addi %mul3A_201, %add3A_309 : i32
      %mul3A_311 = arith.constant 8000 : i32
      %mul3A_312 = arith.muli %add3A_310, %mul3A_311 : i32
      %dma_wait3A_313 = arith.constant 3 : i32
      %dma_wait3A_314 = arith.constant 3 : i32
      %dma_wait3A_315 = tpu.memref_slice %arg4[%dma_wait3A_314] : memref<6x!tpu.dma_semaphore, #tpu.memory_space<semaphore_mem>> -> memref<1x!tpu.dma_semaphore, #tpu.memory_space<semaphore_mem>>
      %dma_wait3A_316 = tpu.memref_squeeze %dma_wait3A_315 : memref<1x!tpu.dma_semaphore, #tpu.memory_space<semaphore_mem>> -> memref<!tpu.dma_semaphore, #tpu.memory_space<semaphore_mem>>
      %dma_wait3A_317 = arith.constant 0 : i32
      %dma_wait3A_318 = arith.constant 0 : i32
      %dma_wait3A_319 = tpu.memref_slice %arg3[%dma_wait3A_313, %dma_wait3A_317, %dma_wait3A_318] : memref<6x8000x100xf32, #tpu.memory_space<vmem>> -> memref<1x8000x100xf32, #tpu.memory_space<vmem>>
      %dma_wait3A_320 = tpu.memref_squeeze %dma_wait3A_319 : memref<1x8000x100xf32, #tpu.memory_space<vmem>> -> memref<8000x100xf32, #tpu.memory_space<vmem>>
      %dma_wait3A_321 = arith.constant 0 : i32
      %dma_wait3A_322 = tpu.memref_slice %arg0[%mul3A_312, %dma_wait3A_321] : memref<1000000x100xf32, #tpu.memory_space<hbm>> -> memref<8000x100xf32, #tpu.memory_space<hbm>>
      tpu.wait_dma2 semaphore(%dma_wait3A_316 : memref<!tpu.dma_semaphore, #tpu.memory_space<semaphore_mem>>) src(%dma_wait3A_322 : memref<8000x100xf32, #tpu.memory_space<hbm>>) dst(%dma_wait3A_320 : memref<8000x100xf32, #tpu.memory_space<vmem>>)
      %get3A_323 = arith.constant 0 : index
      %get3A_324 = arith.constant 0 : index
      %get3A_325 = vector.load %arg1[%get3A_323, %get3A_324] : memref<1x100xf32, #tpu.memory_space<vmem>>, vector<1x100xf32>
      %get3A_326 = arith.constant 3 : index
      %get3A_327 = arith.constant 0 : index
      %get3A_328 = arith.constant 0 : index
      %get3A_329 = vector.load %arg3[%get3A_326, %get3A_327, %get3A_328] : memref<6x8000x100xf32, #tpu.memory_space<vmem>>, vector<1x8000x100xf32>
      %get3A_330 = vector.shape_cast %get3A_329 : vector<1x8000x100xf32> to vector<8000x100xf32>
      %dot_general3A_331 = arith.constant dense<0.000000e+00> : vector<1x8000xf32>
      %dot_general3A_332 = tpu.matmul %get3A_325, %get3A_330, %dot_general3A_331 {dimension_numbers = #tpu.dot_dimension_numbers<[1], [1], [0], [0], [0, 0, 1, 0], [], []>, transpose_lhs_hint = false} : vector<1x100xf32>, vector<8000x100xf32>, vector<1x8000xf32> -> vector<1x8000xf32>
      %mul3A_333 = arith.constant 5.000000e-03 : f32
      %mul3A_334 = vector.broadcast %mul3A_333 : f32 to vector<1x8000xf32>
      %mul3A_335 = arith.mulf %dot_general3A_332, %mul3A_334 : vector<1x8000xf32>
      %swap3A_336 = arith.index_cast %add3A_310 : i32 to index
      %swap3A_337 = arith.constant 0 : index
      %swap3A_338 = vector.load %arg2[%swap3A_336, %swap3A_337] : memref<125x8000xf32, #tpu.memory_space<vmem>>, vector<1x8000xf32>
      tpu.vector_store %arg2[%swap3A_336, %swap3A_337], %mul3A_335 {strides = array<i32>} : memref<125x8000xf32, #tpu.memory_space<vmem>>, vector<1x8000xf32>,
      %add3A_339 = arith.constant 6 : i32
      %add3A_340 = arith.addi %add3A_310, %add3A_339 : i32
      %lt3A_341 = arith.constant 125 : i32
      %lt3A_342 = arith.cmpi slt, %add3A_340, %lt3A_341 : i32
      %convert_element_type3A_343 = arith.extui %lt3A_342 : i1 to i32
      %cond3A_344 = arith.constant 0 : i32
      %cond3A_345 = arith.cmpi ne, %convert_element_type3A_343, %cond3A_344 : i32
      scf.if %cond3A_345 {
        %mul3A_420 = arith.constant 8000 : i32
        %mul3A_421 = arith.muli %add3A_340, %mul3A_420 : i32
        %dma_start3A_422 = arith.constant 3 : i32
        %dma_start3A_423 = arith.constant 3 : i32
        %dma_start3A_424 = tpu.memref_slice %arg4[%dma_start3A_423] : memref<6x!tpu.dma_semaphore, #tpu.memory_space<semaphore_mem>> -> memref<1x!tpu.dma_semaphore, #tpu.memory_space<semaphore_mem>>
        %dma_start3A_425 = tpu.memref_squeeze %dma_start3A_424 : memref<1x!tpu.dma_semaphore, #tpu.memory_space<semaphore_mem>> -> memref<!tpu.dma_semaphore, #tpu.memory_space<semaphore_mem>>
        %dma_start3A_426 = arith.constant 0 : i32
        %dma_start3A_427 = arith.constant 0 : i32
        %dma_start3A_428 = tpu.memref_slice %arg3[%dma_start3A_422, %dma_start3A_426, %dma_start3A_427] : memref<6x8000x100xf32, #tpu.memory_space<vmem>> -> memref<1x8000x100xf32, #tpu.memory_space<vmem>>
        %dma_start3A_429 = tpu.memref_squeeze %dma_start3A_428 : memref<1x8000x100xf32, #tpu.memory_space<vmem>> -> memref<8000x100xf32, #tpu.memory_space<vmem>>
        %dma_start3A_430 = arith.constant 0 : i32
        %dma_start3A_431 = tpu.memref_slice %arg0[%mul3A_421, %dma_start3A_430] : memref<1000000x100xf32, #tpu.memory_space<hbm>> -> memref<8000x100xf32, #tpu.memory_space<hbm>>
        tpu.enqueue_dma source(%dma_start3A_431 : memref<8000x100xf32, #tpu.memory_space<hbm>>) target(%dma_start3A_429 : memref<8000x100xf32, #tpu.memory_space<vmem>>) target_semaphore(%dma_start3A_425 : memref<!tpu.dma_semaphore, #tpu.memory_space<semaphore_mem>>)
      } else {
      }
      %add3A_346 = arith.constant 4 : i32
      %add3A_347 = arith.addi %mul3A_201, %add3A_346 : i32
      %mul3A_348 = arith.constant 8000 : i32
      %mul3A_349 = arith.muli %add3A_347, %mul3A_348 : i32
      %dma_wait3A_350 = arith.constant 4 : i32
      %dma_wait3A_351 = arith.constant 4 : i32
      %dma_wait3A_352 = tpu.memref_slice %arg4[%dma_wait3A_351] : memref<6x!tpu.dma_semaphore, #tpu.memory_space<semaphore_mem>> -> memref<1x!tpu.dma_semaphore, #tpu.memory_space<semaphore_mem>>
      %dma_wait3A_353 = tpu.memref_squeeze %dma_wait3A_352 : memref<1x!tpu.dma_semaphore, #tpu.memory_space<semaphore_mem>> -> memref<!tpu.dma_semaphore, #tpu.memory_space<semaphore_mem>>
      %dma_wait3A_354 = arith.constant 0 : i32
      %dma_wait3A_355 = arith.constant 0 : i32
      %dma_wait3A_356 = tpu.memref_slice %arg3[%dma_wait3A_350, %dma_wait3A_354, %dma_wait3A_355] : memref<6x8000x100xf32, #tpu.memory_space<vmem>> -> memref<1x8000x100xf32, #tpu.memory_space<vmem>>
      %dma_wait3A_357 = tpu.memref_squeeze %dma_wait3A_356 : memref<1x8000x100xf32, #tpu.memory_space<vmem>> -> memref<8000x100xf32, #tpu.memory_space<vmem>>
      %dma_wait3A_358 = arith.constant 0 : i32
      %dma_wait3A_359 = tpu.memref_slice %arg0[%mul3A_349, %dma_wait3A_358] : memref<1000000x100xf32, #tpu.memory_space<hbm>> -> memref<8000x100xf32, #tpu.memory_space<hbm>>
      tpu.wait_dma2 semaphore(%dma_wait3A_353 : memref<!tpu.dma_semaphore, #tpu.memory_space<semaphore_mem>>) src(%dma_wait3A_359 : memref<8000x100xf32, #tpu.memory_space<hbm>>) dst(%dma_wait3A_357 : memref<8000x100xf32, #tpu.memory_space<vmem>>)
      %get3A_360 = arith.constant 0 : index
      %get3A_361 = arith.constant 0 : index
      %get3A_362 = vector.load %arg1[%get3A_360, %get3A_361] : memref<1x100xf32, #tpu.memory_space<vmem>>, vector<1x100xf32>
      %get3A_363 = arith.constant 4 : index
      %get3A_364 = arith.constant 0 : index
      %get3A_365 = arith.constant 0 : index
      %get3A_366 = vector.load %arg3[%get3A_363, %get3A_364, %get3A_365] : memref<6x8000x100xf32, #tpu.memory_space<vmem>>, vector<1x8000x100xf32>
      %get3A_367 = vector.shape_cast %get3A_366 : vector<1x8000x100xf32> to vector<8000x100xf32>
      %dot_general3A_368 = arith.constant dense<0.000000e+00> : vector<1x8000xf32>
      %dot_general3A_369 = tpu.matmul %get3A_362, %get3A_367, %dot_general3A_368 {dimension_numbers = #tpu.dot_dimension_numbers<[1], [1], [0], [0], [0, 0, 1, 0], [], []>, transpose_lhs_hint = false} : vector<1x100xf32>, vector<8000x100xf32>, vector<1x8000xf32> -> vector<1x8000xf32>
      %mul3A_370 = arith.constant 5.000000e-03 : f32
      %mul3A_371 = vector.broadcast %mul3A_370 : f32 to vector<1x8000xf32>
      %mul3A_372 = arith.mulf %dot_general3A_369, %mul3A_371 : vector<1x8000xf32>
      %swap3A_373 = arith.index_cast %add3A_347 : i32 to index
      %swap3A_374 = arith.constant 0 : index
      %swap3A_375 = vector.load %arg2[%swap3A_373, %swap3A_374] : memref<125x8000xf32, #tpu.memory_space<vmem>>, vector<1x8000xf32>
      tpu.vector_store %arg2[%swap3A_373, %swap3A_374], %mul3A_372 {strides = array<i32>} : memref<125x8000xf32, #tpu.memory_space<vmem>>, vector<1x8000xf32>,
      %add3A_376 = arith.constant 6 : i32
      %add3A_377 = arith.addi %add3A_347, %add3A_376 : i32
      %lt3A_378 = arith.constant 125 : i32
      %lt3A_379 = arith.cmpi slt, %add3A_377, %lt3A_378 : i32
      %convert_element_type3A_380 = arith.extui %lt3A_379 : i1 to i32
      %cond3A_381 = arith.constant 0 : i32
      %cond3A_382 = arith.cmpi ne, %convert_element_type3A_380, %cond3A_381 : i32
      scf.if %cond3A_382 {
        %mul3A_420 = arith.constant 8000 : i32
        %mul3A_421 = arith.muli %add3A_377, %mul3A_420 : i32
        %dma_start3A_422 = arith.constant 4 : i32
        %dma_start3A_423 = arith.constant 4 : i32
        %dma_start3A_424 = tpu.memref_slice %arg4[%dma_start3A_423] : memref<6x!tpu.dma_semaphore, #tpu.memory_space<semaphore_mem>> -> memref<1x!tpu.dma_semaphore, #tpu.memory_space<semaphore_mem>>
        %dma_start3A_425 = tpu.memref_squeeze %dma_start3A_424 : memref<1x!tpu.dma_semaphore, #tpu.memory_space<semaphore_mem>> -> memref<!tpu.dma_semaphore, #tpu.memory_space<semaphore_mem>>
        %dma_start3A_426 = arith.constant 0 : i32
        %dma_start3A_427 = arith.constant 0 : i32
        %dma_start3A_428 = tpu.memref_slice %arg3[%dma_start3A_422, %dma_start3A_426, %dma_start3A_427] : memref<6x8000x100xf32, #tpu.memory_space<vmem>> -> memref<1x8000x100xf32, #tpu.memory_space<vmem>>
        %dma_start3A_429 = tpu.memref_squeeze %dma_start3A_428 : memref<1x8000x100xf32, #tpu.memory_space<vmem>> -> memref<8000x100xf32, #tpu.memory_space<vmem>>
        %dma_start3A_430 = arith.constant 0 : i32
        %dma_start3A_431 = tpu.memref_slice %arg0[%mul3A_421, %dma_start3A_430] : memref<1000000x100xf32, #tpu.memory_space<hbm>> -> memref<8000x100xf32, #tpu.memory_space<hbm>>
        tpu.enqueue_dma source(%dma_start3A_431 : memref<8000x100xf32, #tpu.memory_space<hbm>>) target(%dma_start3A_429 : memref<8000x100xf32, #tpu.memory_space<vmem>>) target_semaphore(%dma_start3A_425 : memref<!tpu.dma_semaphore, #tpu.memory_space<semaphore_mem>>)
      } else {
      }
      %add3A_383 = arith.constant 5 : i32
      %add3A_384 = arith.addi %mul3A_201, %add3A_383 : i32
      %mul3A_385 = arith.constant 8000 : i32
      %mul3A_386 = arith.muli %add3A_384, %mul3A_385 : i32
      %dma_wait3A_387 = arith.constant 5 : i32
      %dma_wait3A_388 = arith.constant 5 : i32
      %dma_wait3A_389 = tpu.memref_slice %arg4[%dma_wait3A_388] : memref<6x!tpu.dma_semaphore, #tpu.memory_space<semaphore_mem>> -> memref<1x!tpu.dma_semaphore, #tpu.memory_space<semaphore_mem>>
      %dma_wait3A_390 = tpu.memref_squeeze %dma_wait3A_389 : memref<1x!tpu.dma_semaphore, #tpu.memory_space<semaphore_mem>> -> memref<!tpu.dma_semaphore, #tpu.memory_space<semaphore_mem>>
      %dma_wait3A_391 = arith.constant 0 : i32
      %dma_wait3A_392 = arith.constant 0 : i32
      %dma_wait3A_393 = tpu.memref_slice %arg3[%dma_wait3A_387, %dma_wait3A_391, %dma_wait3A_392] : memref<6x8000x100xf32, #tpu.memory_space<vmem>> -> memref<1x8000x100xf32, #tpu.memory_space<vmem>>
      %dma_wait3A_394 = tpu.memref_squeeze %dma_wait3A_393 : memref<1x8000x100xf32, #tpu.memory_space<vmem>> -> memref<8000x100xf32, #tpu.memory_space<vmem>>
      %dma_wait3A_395 = arith.constant 0 : i32
      %dma_wait3A_396 = tpu.memref_slice %arg0[%mul3A_386, %dma_wait3A_395] : memref<1000000x100xf32, #tpu.memory_space<hbm>> -> memref<8000x100xf32, #tpu.memory_space<hbm>>
      tpu.wait_dma2 semaphore(%dma_wait3A_390 : memref<!tpu.dma_semaphore, #tpu.memory_space<semaphore_mem>>) src(%dma_wait3A_396 : memref<8000x100xf32, #tpu.memory_space<hbm>>) dst(%dma_wait3A_394 : memref<8000x100xf32, #tpu.memory_space<vmem>>)
      %get3A_397 = arith.constant 0 : index
      %get3A_398 = arith.constant 0 : index
      %get3A_399 = vector.load %arg1[%get3A_397, %get3A_398] : memref<1x100xf32, #tpu.memory_space<vmem>>, vector<1x100xf32>
      %get3A_400 = arith.constant 5 : index
      %get3A_401 = arith.constant 0 : index
      %get3A_402 = arith.constant 0 : index
      %get3A_403 = vector.load %arg3[%get3A_400, %get3A_401, %get3A_402] : memref<6x8000x100xf32, #tpu.memory_space<vmem>>, vector<1x8000x100xf32>
      %get3A_404 = vector.shape_cast %get3A_403 : vector<1x8000x100xf32> to vector<8000x100xf32>
      %dot_general3A_405 = arith.constant dense<0.000000e+00> : vector<1x8000xf32>
      %dot_general3A_406 = tpu.matmul %get3A_399, %get3A_404, %dot_general3A_405 {dimension_numbers = #tpu.dot_dimension_numbers<[1], [1], [0], [0], [0, 0, 1, 0], [], []>, transpose_lhs_hint = false} : vector<1x100xf32>, vector<8000x100xf32>, vector<1x8000xf32> -> vector<1x8000xf32>
      %mul3A_407 = arith.constant 5.000000e-03 : f32
      %mul3A_408 = vector.broadcast %mul3A_407 : f32 to vector<1x8000xf32>
      %mul3A_409 = arith.mulf %dot_general3A_406, %mul3A_408 : vector<1x8000xf32>
      %swap3A_410 = arith.index_cast %add3A_384 : i32 to index
      %swap3A_411 = arith.constant 0 : index
      %swap3A_412 = vector.load %arg2[%swap3A_410, %swap3A_411] : memref<125x8000xf32, #tpu.memory_space<vmem>>, vector<1x8000xf32>
      tpu.vector_store %arg2[%swap3A_410, %swap3A_411], %mul3A_409 {strides = array<i32>} : memref<125x8000xf32, #tpu.memory_space<vmem>>, vector<1x8000xf32>,
      %add3A_413 = arith.constant 6 : i32
      %add3A_414 = arith.addi %add3A_384, %add3A_413 : i32
      %lt3A_415 = arith.constant 125 : i32
      %lt3A_416 = arith.cmpi slt, %add3A_414, %lt3A_415 : i32
      %convert_element_type3A_417 = arith.extui %lt3A_416 : i1 to i32
      %cond3A_418 = arith.constant 0 : i32
      %cond3A_419 = arith.cmpi ne, %convert_element_type3A_417, %cond3A_418 : i32
      scf.if %cond3A_419 {
        %mul3A_420 = arith.constant 8000 : i32
        %mul3A_421 = arith.muli %add3A_414, %mul3A_420 : i32
        %dma_start3A_422 = arith.constant 5 : i32
        %dma_start3A_423 = arith.constant 5 : i32
        %dma_start3A_424 = tpu.memref_slice %arg4[%dma_start3A_423] : memref<6x!tpu.dma_semaphore, #tpu.memory_space<semaphore_mem>> -> memref<1x!tpu.dma_semaphore, #tpu.memory_space<semaphore_mem>>
        %dma_start3A_425 = tpu.memref_squeeze %dma_start3A_424 : memref<1x!tpu.dma_semaphore, #tpu.memory_space<semaphore_mem>> -> memref<!tpu.dma_semaphore, #tpu.memory_space<semaphore_mem>>
        %dma_start3A_426 = arith.constant 0 : i32
        %dma_start3A_427 = arith.constant 0 : i32
        %dma_start3A_428 = tpu.memref_slice %arg3[%dma_start3A_422, %dma_start3A_426, %dma_start3A_427] : memref<6x8000x100xf32, #tpu.memory_space<vmem>> -> memref<1x8000x100xf32, #tpu.memory_space<vmem>>
        %dma_start3A_429 = tpu.memref_squeeze %dma_start3A_428 : memref<1x8000x100xf32, #tpu.memory_space<vmem>> -> memref<8000x100xf32, #tpu.memory_space<vmem>>
        %dma_start3A_430 = arith.constant 0 : i32
        %dma_start3A_431 = tpu.memref_slice %arg0[%mul3A_421, %dma_start3A_430] : memref<1000000x100xf32, #tpu.memory_space<hbm>> -> memref<8000x100xf32, #tpu.memory_space<hbm>>
        tpu.enqueue_dma source(%dma_start3A_431 : memref<8000x100xf32, #tpu.memory_space<hbm>>) target(%dma_start3A_429 : memref<8000x100xf32, #tpu.memory_space<vmem>>) target_semaphore(%dma_start3A_425 : memref<!tpu.dma_semaphore, #tpu.memory_space<semaphore_mem>>)
      } else {
      }
    }
    %scan3A_68 = arith.constant 20 : i32
    %dma_wait3A = arith.constant 0 : i32
    %dma_wait3A_69 = arith.constant 0 : i32
    %dma_wait3A_70 = tpu.memref_slice %arg4[%dma_wait3A_69] : memref<6x!tpu.dma_semaphore, #tpu.memory_space<semaphore_mem>> -> memref<1x!tpu.dma_semaphore, #tpu.memory_space<semaphore_mem>>
    %dma_wait3A_71 = tpu.memref_squeeze %dma_wait3A_70 : memref<1x!tpu.dma_semaphore, #tpu.memory_space<semaphore_mem>> -> memref<!tpu.dma_semaphore, #tpu.memory_space<semaphore_mem>>
    %dma_wait3A_72 = arith.constant 0 : i32
    %dma_wait3A_73 = arith.constant 0 : i32
    %dma_wait3A_74 = tpu.memref_slice %arg3[%dma_wait3A, %dma_wait3A_72, %dma_wait3A_73] : memref<6x8000x100xf32, #tpu.memory_space<vmem>> -> memref<1x8000x100xf32, #tpu.memory_space<vmem>>
    %dma_wait3A_75 = tpu.memref_squeeze %dma_wait3A_74 : memref<1x8000x100xf32, #tpu.memory_space<vmem>> -> memref<8000x100xf32, #tpu.memory_space<vmem>>
    %dma_wait3A_76 = arith.constant 960000 : i32
    %dma_wait3A_77 = arith.constant 0 : i32
    %dma_wait3A_78 = tpu.memref_slice %arg0[%dma_wait3A_76, %dma_wait3A_77] : memref<1000000x100xf32, #tpu.memory_space<hbm>> -> memref<8000x100xf32, #tpu.memory_space<hbm>>
    tpu.wait_dma2 semaphore(%dma_wait3A_71 : memref<!tpu.dma_semaphore, #tpu.memory_space<semaphore_mem>>) src(%dma_wait3A_78 : memref<8000x100xf32, #tpu.memory_space<hbm>>) dst(%dma_wait3A_75 : memref<8000x100xf32, #tpu.memory_space<vmem>>)
    %get3A = arith.constant 0 : index
    %get3A_79 = arith.constant 0 : index
    %get3A_80 = vector.load %arg1[%get3A, %get3A_79] : memref<1x100xf32, #tpu.memory_space<vmem>>, vector<1x100xf32>
    %get3A_81 = arith.constant 0 : index
    %get3A_82 = arith.constant 0 : index
    %get3A_83 = arith.constant 0 : index
    %get3A_84 = vector.load %arg3[%get3A_81, %get3A_82, %get3A_83] : memref<6x8000x100xf32, #tpu.memory_space<vmem>>, vector<1x8000x100xf32>
    %get3A_85 = vector.shape_cast %get3A_84 : vector<1x8000x100xf32> to vector<8000x100xf32>
    %dot_general3A = arith.constant dense<0.000000e+00> : vector<1x8000xf32>
    %dot_general3A_86 = tpu.matmul %get3A_80, %get3A_85, %dot_general3A {dimension_numbers = #tpu.dot_dimension_numbers<[1], [1], [0], [0], [0, 0, 1, 0], [], []>, transpose_lhs_hint = false} : vector<1x100xf32>, vector<8000x100xf32>, vector<1x8000xf32> -> vector<1x8000xf32>
    %mul3A = arith.constant 5.000000e-03 : f32
    %mul3A_87 = vector.broadcast %mul3A : f32 to vector<1x8000xf32>
    %mul3A_88 = arith.mulf %dot_general3A_86, %mul3A_87 : vector<1x8000xf32>
    %swap3A = arith.constant 120 : index
    %swap3A_89 = arith.constant 0 : index
    %swap3A_90 = vector.load %arg2[%swap3A, %swap3A_89] : memref<125x8000xf32, #tpu.memory_space<vmem>>, vector<1x8000xf32>
    tpu.vector_store %arg2[%swap3A, %swap3A_89], %mul3A_88 {strides = array<i32>} : memref<125x8000xf32, #tpu.memory_space<vmem>>, vector<1x8000xf32>,
    %dma_wait3A_91 = arith.constant 1 : i32
    %dma_wait3A_92 = arith.constant 1 : i32
    %dma_wait3A_93 = tpu.memref_slice %arg4[%dma_wait3A_92] : memref<6x!tpu.dma_semaphore, #tpu.memory_space<semaphore_mem>> -> memref<1x!tpu.dma_semaphore, #tpu.memory_space<semaphore_mem>>
    %dma_wait3A_94 = tpu.memref_squeeze %dma_wait3A_93 : memref<1x!tpu.dma_semaphore, #tpu.memory_space<semaphore_mem>> -> memref<!tpu.dma_semaphore, #tpu.memory_space<semaphore_mem>>
    %dma_wait3A_95 = arith.constant 0 : i32
    %dma_wait3A_96 = arith.constant 0 : i32
    %dma_wait3A_97 = tpu.memref_slice %arg3[%dma_wait3A_91, %dma_wait3A_95, %dma_wait3A_96] : memref<6x8000x100xf32, #tpu.memory_space<vmem>> -> memref<1x8000x100xf32, #tpu.memory_space<vmem>>
    %dma_wait3A_98 = tpu.memref_squeeze %dma_wait3A_97 : memref<1x8000x100xf32, #tpu.memory_space<vmem>> -> memref<8000x100xf32, #tpu.memory_space<vmem>>
    %dma_wait3A_99 = arith.constant 968000 : i32
    %dma_wait3A_100 = arith.constant 0 : i32
    %dma_wait3A_101 = tpu.memref_slice %arg0[%dma_wait3A_99, %dma_wait3A_100] : memref<1000000x100xf32, #tpu.memory_space<hbm>> -> memref<8000x100xf32, #tpu.memory_space<hbm>>
    tpu.wait_dma2 semaphore(%dma_wait3A_94 : memref<!tpu.dma_semaphore, #tpu.memory_space<semaphore_mem>>) src(%dma_wait3A_101 : memref<8000x100xf32, #tpu.memory_space<hbm>>) dst(%dma_wait3A_98 : memref<8000x100xf32, #tpu.memory_space<vmem>>)
    %get3A_102 = arith.constant 0 : index
    %get3A_103 = arith.constant 0 : index
    %get3A_104 = vector.load %arg1[%get3A_102, %get3A_103] : memref<1x100xf32, #tpu.memory_space<vmem>>, vector<1x100xf32>
    %get3A_105 = arith.constant 1 : index
    %get3A_106 = arith.constant 0 : index
    %get3A_107 = arith.constant 0 : index
    %get3A_108 = vector.load %arg3[%get3A_105, %get3A_106, %get3A_107] : memref<6x8000x100xf32, #tpu.memory_space<vmem>>, vector<1x8000x100xf32>
    %get3A_109 = vector.shape_cast %get3A_108 : vector<1x8000x100xf32> to vector<8000x100xf32>
    %dot_general3A_110 = arith.constant dense<0.000000e+00> : vector<1x8000xf32>
    %dot_general3A_111 = tpu.matmul %get3A_104, %get3A_109, %dot_general3A_110 {dimension_numbers = #tpu.dot_dimension_numbers<[1], [1], [0], [0], [0, 0, 1, 0], [], []>, transpose_lhs_hint = false} : vector<1x100xf32>, vector<8000x100xf32>, vector<1x8000xf32> -> vector<1x8000xf32>
    %mul3A_112 = arith.constant 5.000000e-03 : f32
    %mul3A_113 = vector.broadcast %mul3A_112 : f32 to vector<1x8000xf32>
    %mul3A_114 = arith.mulf %dot_general3A_111, %mul3A_113 : vector<1x8000xf32>
    %swap3A_115 = arith.constant 121 : index
    %swap3A_116 = arith.constant 0 : index
    %swap3A_117 = vector.load %arg2[%swap3A_115, %swap3A_116] : memref<125x8000xf32, #tpu.memory_space<vmem>>, vector<1x8000xf32>
    tpu.vector_store %arg2[%swap3A_115, %swap3A_116], %mul3A_114 {strides = array<i32>} : memref<125x8000xf32, #tpu.memory_space<vmem>>, vector<1x8000xf32>,
    %dma_wait3A_118 = arith.constant 2 : i32
    %dma_wait3A_119 = arith.constant 2 : i32
    %dma_wait3A_120 = tpu.memref_slice %arg4[%dma_wait3A_119] : memref<6x!tpu.dma_semaphore, #tpu.memory_space<semaphore_mem>> -> memref<1x!tpu.dma_semaphore, #tpu.memory_space<semaphore_mem>>
    %dma_wait3A_121 = tpu.memref_squeeze %dma_wait3A_120 : memref<1x!tpu.dma_semaphore, #tpu.memory_space<semaphore_mem>> -> memref<!tpu.dma_semaphore, #tpu.memory_space<semaphore_mem>>
    %dma_wait3A_122 = arith.constant 0 : i32
    %dma_wait3A_123 = arith.constant 0 : i32
    %dma_wait3A_124 = tpu.memref_slice %arg3[%dma_wait3A_118, %dma_wait3A_122, %dma_wait3A_123] : memref<6x8000x100xf32, #tpu.memory_space<vmem>> -> memref<1x8000x100xf32, #tpu.memory_space<vmem>>
    %dma_wait3A_125 = tpu.memref_squeeze %dma_wait3A_124 : memref<1x8000x100xf32, #tpu.memory_space<vmem>> -> memref<8000x100xf32, #tpu.memory_space<vmem>>
    %dma_wait3A_126 = arith.constant 976000 : i32
    %dma_wait3A_127 = arith.constant 0 : i32
    %dma_wait3A_128 = tpu.memref_slice %arg0[%dma_wait3A_126, %dma_wait3A_127] : memref<1000000x100xf32, #tpu.memory_space<hbm>> -> memref<8000x100xf32, #tpu.memory_space<hbm>>
    tpu.wait_dma2 semaphore(%dma_wait3A_121 : memref<!tpu.dma_semaphore, #tpu.memory_space<semaphore_mem>>) src(%dma_wait3A_128 : memref<8000x100xf32, #tpu.memory_space<hbm>>) dst(%dma_wait3A_125 : memref<8000x100xf32, #tpu.memory_space<vmem>>)
    %get3A_129 = arith.constant 0 : index
    %get3A_130 = arith.constant 0 : index
    %get3A_131 = vector.load %arg1[%get3A_129, %get3A_130] : memref<1x100xf32, #tpu.memory_space<vmem>>, vector<1x100xf32>
    %get3A_132 = arith.constant 2 : index
    %get3A_133 = arith.constant 0 : index
    %get3A_134 = arith.constant 0 : index
    %get3A_135 = vector.load %arg3[%get3A_132, %get3A_133, %get3A_134] : memref<6x8000x100xf32, #tpu.memory_space<vmem>>, vector<1x8000x100xf32>
    %get3A_136 = vector.shape_cast %get3A_135 : vector<1x8000x100xf32> to vector<8000x100xf32>
    %dot_general3A_137 = arith.constant dense<0.000000e+00> : vector<1x8000xf32>
    %dot_general3A_138 = tpu.matmul %get3A_131, %get3A_136, %dot_general3A_137 {dimension_numbers = #tpu.dot_dimension_numbers<[1], [1], [0], [0], [0, 0, 1, 0], [], []>, transpose_lhs_hint = false} : vector<1x100xf32>, vector<8000x100xf32>, vector<1x8000xf32> -> vector<1x8000xf32>
    %mul3A_139 = arith.constant 5.000000e-03 : f32
    %mul3A_140 = vector.broadcast %mul3A_139 : f32 to vector<1x8000xf32>
    %mul3A_141 = arith.mulf %dot_general3A_138, %mul3A_140 : vector<1x8000xf32>
    %swap3A_142 = arith.constant 122 : index
    %swap3A_143 = arith.constant 0 : index
    %swap3A_144 = vector.load %arg2[%swap3A_142, %swap3A_143] : memref<125x8000xf32, #tpu.memory_space<vmem>>, vector<1x8000xf32>
    tpu.vector_store %arg2[%swap3A_142, %swap3A_143], %mul3A_141 {strides = array<i32>} : memref<125x8000xf32, #tpu.memory_space<vmem>>, vector<1x8000xf32>,
    %dma_wait3A_145 = arith.constant 3 : i32
    %dma_wait3A_146 = arith.constant 3 : i32
    %dma_wait3A_147 = tpu.memref_slice %arg4[%dma_wait3A_146] : memref<6x!tpu.dma_semaphore, #tpu.memory_space<semaphore_mem>> -> memref<1x!tpu.dma_semaphore, #tpu.memory_space<semaphore_mem>>
    %dma_wait3A_148 = tpu.memref_squeeze %dma_wait3A_147 : memref<1x!tpu.dma_semaphore, #tpu.memory_space<semaphore_mem>> -> memref<!tpu.dma_semaphore, #tpu.memory_space<semaphore_mem>>
    %dma_wait3A_149 = arith.constant 0 : i32
    %dma_wait3A_150 = arith.constant 0 : i32
    %dma_wait3A_151 = tpu.memref_slice %arg3[%dma_wait3A_145, %dma_wait3A_149, %dma_wait3A_150] : memref<6x8000x100xf32, #tpu.memory_space<vmem>> -> memref<1x8000x100xf32, #tpu.memory_space<vmem>>
    %dma_wait3A_152 = tpu.memref_squeeze %dma_wait3A_151 : memref<1x8000x100xf32, #tpu.memory_space<vmem>> -> memref<8000x100xf32, #tpu.memory_space<vmem>>
    %dma_wait3A_153 = arith.constant 984000 : i32
    %dma_wait3A_154 = arith.constant 0 : i32
    %dma_wait3A_155 = tpu.memref_slice %arg0[%dma_wait3A_153, %dma_wait3A_154] : memref<1000000x100xf32, #tpu.memory_space<hbm>> -> memref<8000x100xf32, #tpu.memory_space<hbm>>
    tpu.wait_dma2 semaphore(%dma_wait3A_148 : memref<!tpu.dma_semaphore, #tpu.memory_space<semaphore_mem>>) src(%dma_wait3A_155 : memref<8000x100xf32, #tpu.memory_space<hbm>>) dst(%dma_wait3A_152 : memref<8000x100xf32, #tpu.memory_space<vmem>>)
    %get3A_156 = arith.constant 0 : index
    %get3A_157 = arith.constant 0 : index
    %get3A_158 = vector.load %arg1[%get3A_156, %get3A_157] : memref<1x100xf32, #tpu.memory_space<vmem>>, vector<1x100xf32>
    %get3A_159 = arith.constant 3 : index
    %get3A_160 = arith.constant 0 : index
    %get3A_161 = arith.constant 0 : index
    %get3A_162 = vector.load %arg3[%get3A_159, %get3A_160, %get3A_161] : memref<6x8000x100xf32, #tpu.memory_space<vmem>>, vector<1x8000x100xf32>
    %get3A_163 = vector.shape_cast %get3A_162 : vector<1x8000x100xf32> to vector<8000x100xf32>
    %dot_general3A_164 = arith.constant dense<0.000000e+00> : vector<1x8000xf32>
    %dot_general3A_165 = tpu.matmul %get3A_158, %get3A_163, %dot_general3A_164 {dimension_numbers = #tpu.dot_dimension_numbers<[1], [1], [0], [0], [0, 0, 1, 0], [], []>, transpose_lhs_hint = false} : vector<1x100xf32>, vector<8000x100xf32>, vector<1x8000xf32> -> vector<1x8000xf32>
    %mul3A_166 = arith.constant 5.000000e-03 : f32
    %mul3A_167 = vector.broadcast %mul3A_166 : f32 to vector<1x8000xf32>
    %mul3A_168 = arith.mulf %dot_general3A_165, %mul3A_167 : vector<1x8000xf32>
    %swap3A_169 = arith.constant 123 : index
    %swap3A_170 = arith.constant 0 : index
    %swap3A_171 = vector.load %arg2[%swap3A_169, %swap3A_170] : memref<125x8000xf32, #tpu.memory_space<vmem>>, vector<1x8000xf32>
    tpu.vector_store %arg2[%swap3A_169, %swap3A_170], %mul3A_168 {strides = array<i32>} : memref<125x8000xf32, #tpu.memory_space<vmem>>, vector<1x8000xf32>,
    %dma_wait3A_172 = arith.constant 4 : i32
    %dma_wait3A_173 = arith.constant 4 : i32
    %dma_wait3A_174 = tpu.memref_slice %arg4[%dma_wait3A_173] : memref<6x!tpu.dma_semaphore, #tpu.memory_space<semaphore_mem>> -> memref<1x!tpu.dma_semaphore, #tpu.memory_space<semaphore_mem>>
    %dma_wait3A_175 = tpu.memref_squeeze %dma_wait3A_174 : memref<1x!tpu.dma_semaphore, #tpu.memory_space<semaphore_mem>> -> memref<!tpu.dma_semaphore, #tpu.memory_space<semaphore_mem>>
    %dma_wait3A_176 = arith.constant 0 : i32
    %dma_wait3A_177 = arith.constant 0 : i32
    %dma_wait3A_178 = tpu.memref_slice %arg3[%dma_wait3A_172, %dma_wait3A_176, %dma_wait3A_177] : memref<6x8000x100xf32, #tpu.memory_space<vmem>> -> memref<1x8000x100xf32, #tpu.memory_space<vmem>>
    %dma_wait3A_179 = tpu.memref_squeeze %dma_wait3A_178 : memref<1x8000x100xf32, #tpu.memory_space<vmem>> -> memref<8000x100xf32, #tpu.memory_space<vmem>>
    %dma_wait3A_180 = arith.constant 992000 : i32
    %dma_wait3A_181 = arith.constant 0 : i32
    %dma_wait3A_182 = tpu.memref_slice %arg0[%dma_wait3A_180, %dma_wait3A_181] : memref<1000000x100xf32, #tpu.memory_space<hbm>> -> memref<8000x100xf32, #tpu.memory_space<hbm>>
    tpu.wait_dma2 semaphore(%dma_wait3A_175 : memref<!tpu.dma_semaphore, #tpu.memory_space<semaphore_mem>>) src(%dma_wait3A_182 : memref<8000x100xf32, #tpu.memory_space<hbm>>) dst(%dma_wait3A_179 : memref<8000x100xf32, #tpu.memory_space<vmem>>)
    %get3A_183 = arith.constant 0 : index
    %get3A_184 = arith.constant 0 : index
    %get3A_185 = vector.load %arg1[%get3A_183, %get3A_184] : memref<1x100xf32, #tpu.memory_space<vmem>>, vector<1x100xf32>
    %get3A_186 = arith.constant 4 : index
    %get3A_187 = arith.constant 0 : index
    %get3A_188 = arith.constant 0 : index
    %get3A_189 = vector.load %arg3[%get3A_186, %get3A_187, %get3A_188] : memref<6x8000x100xf32, #tpu.memory_space<vmem>>, vector<1x8000x100xf32>
    %get3A_190 = vector.shape_cast %get3A_189 : vector<1x8000x100xf32> to vector<8000x100xf32>
    %dot_general3A_191 = arith.constant dense<0.000000e+00> : vector<1x8000xf32>
    %dot_general3A_192 = tpu.matmul %get3A_185, %get3A_190, %dot_general3A_191 {dimension_numbers = #tpu.dot_dimension_numbers<[1], [1], [0], [0], [0, 0, 1, 0], [], []>, transpose_lhs_hint = false} : vector<1x100xf32>, vector<8000x100xf32>, vector<1x8000xf32> -> vector<1x8000xf32>
    %mul3A_193 = arith.constant 5.000000e-03 : f32
    %mul3A_194 = vector.broadcast %mul3A_193 : f32 to vector<1x8000xf32>
    %mul3A_195 = arith.mulf %dot_general3A_192, %mul3A_194 : vector<1x8000xf32>
    %swap3A_196 = arith.constant 124 : index
    %swap3A_197 = arith.constant 0 : index
    %swap3A_198 = vector.load %arg2[%swap3A_196, %swap3A_197] : memref<125x8000xf32, #tpu.memory_space<vmem>>, vector<1x8000xf32>
    tpu.vector_store %arg2[%swap3A_196, %swap3A_197], %mul3A_195 {strides = array<i32>} : memref<125x8000xf32, #tpu.memory_space<vmem>>, vector<1x8000xf32>,
    return
  }
}

module attributes {stable_mosaic.version = 14 : i64} {
  func.func @_reduce16_body(%arg0: i32, %arg1: memref<2048x16xf32, #tpu.memory_space<vmem>>, %arg2: memref<2048x1xf32, #tpu.memory_space<vmem>>) attributes {dimension_semantics = [#tpu.dimension_semantics<arbitrary>], iteration_bounds = array<i64: 8>, scalar_prefetch = 0 : i64, scratch_operands = 0 : i64, tpu.core_type = #tpu.core_type<tc>, window_params = [{transform_indices = @transform_0, window_bounds = array<i64: 2048, 16>}, {transform_indices = @transform_1, window_bounds = array<i64: 2048, 1>}]} {
    %get3A = arith.constant 0 : index
    %get3A_0 = arith.constant 0 : index
    %get3A_1 = vector.load %arg1[%get3A, %get3A_0] : memref<2048x16xf32, #tpu.memory_space<vmem>>, vector<2048x16xf32>
    %reduce_sum3A = arith.constant dense<0.000000e+00> : vector<2048xf32>
    %reduce_sum3A_2 = vector.multi_reduction <add>, %get3A_1, %reduce_sum3A [1] : vector<2048x16xf32> to vector<2048xf32>
    %broadcast_in_dim3A = vector.shape_cast %reduce_sum3A_2 : vector<2048xf32> to vector<2048x1xf32>
    %swap3A = arith.constant 0 : index
    %swap3A_3 = arith.constant 0 : index
    %swap3A_4 = vector.load %arg2[%swap3A, %swap3A_3] : memref<2048x1xf32, #tpu.memory_space<vmem>>, vector<2048x1xf32>
    tpu.vector_store %arg2[%swap3A, %swap3A_3], %broadcast_in_dim3A {strides = array<i32>} : memref<2048x1xf32, #tpu.memory_space<vmem>>, vector<2048x1xf32>,
    return
  }
  func.func @transform_0(%arg0: i32) -> (i32, i32) {
    %c0_i32 = arith.constant 0 : i32
    %c0_i32_0 = arith.constant 0 : i32
    return %arg0, %c0_i32 : i32, i32
  }
  func.func @transform_1(%arg0: i32) -> (i32, i32) {
    %c0_i32 = arith.constant 0 : i32
    %c0_i32_0 = arith.constant 0 : i32
    return %arg0, %c0_i32 : i32, i32
  }
}

</mosaic_0001>

<sc_bundles>
// kernel: kernel.5.cloned.1.call-start
scs
__scs_entry_jumppad:
0x0: {  	(pc) =	sbr.rel $0x88, $3  }
0x1: {  	(tag) =	ssettag $0x0;
	lr =	simm.s32 $0x1  }
0x2: {  	[smem:$0x3F9E] =	sst lr;
	_ =	strace $0xD0000000  }
0x3: {  	_ = 	snop  }
0x4: {  	_ = 	snop  }
0x5: {  	_ = 	snop  }
0x6: {  	_ = 	snop  }
0x7: {  	_ = 	snop  }
__scs_overlays_trampoline_lowered:
0x8: {  	[smem:$0x3FAD] =	sst s0  }
0x9: {  	[smem:$0x3FAE] =	sst s1  }
0xa: {  	[smem:$0x3FAF] =	sst s2  }
0xb: {  	[smem:$0x3FB0] =	sst s3  }
0xc: {  	[smem:$0x3FB1] =	sst s4  }
0xd: {  	[smem:$0x3FB2] =	sst s5  }
0xe: {  	[smem:$0x3FB3] =	sst s6  }
0xf: {  	[smem:$0x3FB4] =	sst s7  }
0x10: {  	[smem:$0x3FB5] =	sst s8  }
0x11: {  	[smem:$0x3FB6] =	sst s9;
	s0 =	simm.s32 @!p0 $0x0  }
0x12: {  	s1 =	sld [smem:$0x3F9C];
	s0 =	simm.s32 @p0 $0x1  }
0x13: {  	[smem:$0x3FB7] =	sst s0;
	s0 =	simm.s32 @!p1 $0x0  }
0x14: {  	s2 =	sld [smem:$0x3F9B];
	s0 =	simm.s32 @p1 $0x1  }
0x15: {  	[smem:$0x3FB8] =	sst s0;
	s0 =	simm.s32 @!p2 $0x0  }
0x16: {  	s3 =	sld [smem:$0x3FDB];
	s0 =	simm.s32 @p2 $0x1  }
0x17: {  	s4 =	simm.s32 $0x1BF5;
	[smem:$0x3FBA] =	sst s0  }
0x18: {  	s0 =	sld [smem:$0x3F9D];
	_ =	swait.ge [sflag:s4], $0x0  }
0x19: {  	s7 =	sld [smem:$0x3F9E]  }
0x1a: {  	s8 =	sadd.s32 $0xFFFFE003, lr  }
0x1b: {  	s9 =	sadd.s32 $0xFFFFFEF7, lr;
	s5 =	simm.s32 $0xFFFFFFFF;
	p2 =	slt.u32 s8, $0xFFFFF086  }
0x1c: {  	p1 =	slt.u32 s9, $0xF7A;
	s5 =	simm.s32 @!p2 $0x0  }
0x1d: {  	s5 =	simm.s32 @p1 $0x1;
	p0 =	seq.s32 s7, s2  }
0x1e: {  	s7 =	smul.u32 @!p0 $0xF7A, s2;
	p2 =	seq.s32 @!p0 s5, $0x0  }
0x1f: {  	s9 =	smul.u32 $0xF7A, s1;
	s8 =	simm.s32 @!p0 $0x1BF5;
	p2 =	por !p2, p0  }
0x20: {  	[sflag:s8] =	ssyncset.s32 @!p0 $0xFFFFF086;
	s6 =	sadd.s32 @!p0 s3, s7;
	s7 =	simm.s32 @!p0 $0x108  }
0x21: {  	s3 =	sadd.s32 s3, s9;
	s6 =	sadd.s32 @!p0 $0x88, s6;
	s7 =	simm.s32 @p2 $0x1082  }
0x22: {  	[simem:s7], [sflag:s8] =	dma.local @!p0 [hbm:s6], $0xF7A  }
0x23: {  	s9 =	sor.u32 $0xD0000000, s2;
	s6 =	simm.s32 $0x108;
	_ =	swait.ge @!p0 [sflag:s8], $0x0  }
0x24: {  	s3 =	sadd.s32 $0x88, s3;
	s6 =	simm.s32 @!p1 $0x1082;
	[sflag:s4] =	ssyncset.s32 $0xFFFFF086  }
0x25: {  	[simem:s6], [sflag:s4] =	dma.local [hbm:s3], $0xF7A  }
0x26: {  	[smem:$0x3F9E] =	sst s1;
	(tag) =	ssettag s2;
	_ =	strace s9  }
0x27: {  	s1 =	sld [smem:$0x3FAE]  }
0x28: {  	s2 =	sld [smem:$0x3FAF]  }
0x29: {  	s4 =	sld [smem:$0x3FB1]  }
0x2a: {  	p0 =	seq.s32 s5, $0x0;
	s5 =	sld [smem:$0x3FB2]  }
0x2b: {  	s6 =	sld [smem:$0x3FB3]  }
0x2c: {  	s7 =	sld [smem:$0x3FB4]  }
0x2d: {  	s3 =	simm.s32 $0x108;
	s8 =	sld [smem:$0x3FB5]  }
0x2e: {  	s3 =	simm.s32 @!p0 $0x1082;
	s9 =	sld [smem:$0x3FB6]  }
0x2f: {  	lr =	sadd.s32 s0, s3;
	s0 =	sld [smem:$0x3FAD]  }
0x30: {  	s3 =	sld [smem:$0x3FB0]  }
0x31: {  	[smem:$0x3FB9] =	sst s10  }
0x32: {  	s10 =	sld [smem:$0x3FB7];
	_ =	sdelay $0x3  }
0x33: {  	p0 =	seq.s32 s10, $0x1;
	s10 =	sld [smem:$0x3FB9];
	_ =	sdelay $0x3  }
0x34: {  	[smem:$0x3FB9] =	sst s10  }
0x35: {  	s10 =	sld [smem:$0x3FB8];
	_ =	sdelay $0x3  }
0x36: {  	p1 =	seq.s32 s10, $0x1;
	s10 =	sld [smem:$0x3FB9];
	_ =	sdelay $0x3  }
0x37: {  	[smem:$0x3FB9] =	sst s10  }
0x38: {  	s10 =	sld [smem:$0x3FBA]  }
0x39: {  	_ = 	snop;
	(pc) =	sbr.ind lr, $3  }
0x3a: {  	_ = 	snop  }
0x3b: {  	_ = 	snop  }
0x3c: {  	p2 =	seq.s32 s10, $0x1;
	s10 =	sld [smem:$0x3FB9]  }
0x3d: {  	_ =	shalt  }
0x3e: {  	_ =	shalt  }
0x3f: {  	_ =	shalt  }
0x40: {  	_ =	shalt  }
0x41: {  	_ =	shalt  }
0x42: {  	_ =	shalt  }
0x43: {  	_ =	shalt  }
0x44: {  	_ =	shalt  }
0x45: {  	_ =	shalt  }
0x46: {  	_ =	shalt  }
0x47: {  	_ =	shalt  }
0x48: {  	_ =	shalt  }
0x49: {  	_ =	shalt  }
0x4a: {  	_ =	shalt  }
0x4b: {  	_ =	shalt  }
0x4c: {  	_ =	shalt  }
0x4d: {  	_ =	shalt  }
0x4e: {  	_ =	shalt  }
0x4f: {  	_ =	shalt  }
0x50: {  	_ =	shalt  }
0x51: {  	_ =	shalt  }
0x52: {  	_ =	shalt  }
0x53: {  	_ =	shalt  }
0x54: {  	_ =	shalt  }
0x55: {  	_ =	shalt  }
0x56: {  	_ =	shalt  }
0x57: {  	_ =	shalt  }
0x58: {  	_ =	shalt  }
0x59: {  	_ =	shalt  }
0x5a: {  	_ =	shalt  }
0x5b: {  	_ =	shalt  }
0x5c: {  	_ =	shalt  }
0x5d: {  	_ =	shalt  }
0x5e: {  	_ =	shalt  }
0x5f: {  	_ =	shalt  }
0x60: {  	_ =	shalt  }
0x61: {  	_ =	shalt  }
0x62: {  	_ =	shalt  }
0x63: {  	_ =	shalt  }
0x64: {  	_ =	shalt  }
0x65: {  	_ =	shalt  }
0x66: {  	_ =	shalt  }
0x67: {  	_ =	shalt  }
0x68: {  	_ =	shalt  }
0x69: {  	_ =	shalt  }
0x6a: {  	_ =	shalt  }
0x6b: {  	_ =	shalt  }
0x6c: {  	_ =	shalt  }
0x6d: {  	_ =	shalt  }
0x6e: {  	_ =	shalt  }
0x6f: {  	_ =	shalt  }
0x70: {  	_ =	shalt  }
0x71: {  	_ =	shalt  }
0x72: {  	_ =	shalt  }
0x73: {  	_ =	shalt  }
0x74: {  	_ =	shalt  }
0x75: {  	_ =	shalt  }
0x76: {  	_ =	shalt  }
0x77: {  	_ =	shalt  }
0x78: {  	_ =	shalt  }
0x79: {  	_ =	shalt  }
0x7a: {  	_ =	shalt  }
0x7b: {  	_ =	shalt  }
0x7c: {  	_ =	shalt  }
0x7d: {  	_ =	shalt  }
0x7e: {  	_ =	shalt  }
0x7f: {  	_ =	shalt  }
0x80: {  	_ =	shalt  }
0x81: {  	_ =	shalt  }
0x82: {  	_ =	shalt  }
0x83: {  	_ =	shalt  }
0x84: {  	_ =	shalt  }
0x85: {  	_ =	shalt  }
0x86: {  	_ =	shalt  }
0x87: {  	_ =	shalt  }
.Lfunc_end0:
.L_simem_size_0:
called_computation_lowered:
.L_overlay_start_0:
0x88: {  	s2 =	sld [smem:$0x3FD9]  }
0x89: {  	s3 =	sld [smem:$0x3FFE];
	_ =	sdelay $0x1  }
0x8a: {  	s1 =	srdreg.scid  }
0x8b: {  	s0 =	sand.u32 $0x1, s1  }
0x8c: {  	s16 =	sshll.u32 s0, $0xA;
	s2 =	sadd.s32 s3, s2  }
0x8d: {  	s2 =	sadd.s32 s2, s16  }
0x8e: {  	[smem:$0x3FC5] =	sst s2  }
0x8f: {  	_ = 	snop  }
0x90: {  	(tm) =	ssettm $0x1  }
0x91: {  	s17 =	sld [smem:$0x3FFB];
	_ =	sdelay $0x3  }
0x92: {  	_ =	strace s17  }
0x93: {  	s2 =	sld [smem:$0x3FFC];
	_ =	sdelay $0x3  }
0x94: {  	_ =	strace s2  }
0x95: {  	s2 =	sld [smem:$0x3FFD];
	_ =	sdelay $0x3  }
0x96: {  	_ =	strace s2  }
0x97: {  	_ =	strace $0x8FFFFFFF  }
0x98: {  	s18 =	sld [smem:$0x3FDB];
	_ =	sdelay $0x1  }
0x99: {  	s19 =	simm.s32 $_scs_section_size  }
0x9a: {  	s4 =	simm.s32 $_size__tile_overlayer_lowered;
	s5 =	simm.s32 $_tile_overlayer_lowered  }
0x9b: {  	s22 =	simm.s32 $0x1BFF;
	s21 =	sshll.u32 s5, $0x1;
	s2 =	sadd.s32 s19, s18  }
0x9c: {  	s6 =	simm.s32 $0x0;
	s20 =	sshll.u32 s4, $0x1;
	s4 =	sadd.s32 s21, s2  }
0x9d: {  	[timem:s6], [sflag:s22] =	dma.local [hbm:s4], s20  }
0x9e: {  	_ =	swait.ge [sflag:s22], s20  }
0x9f: {  	s3 =	ssub.s32 $0x0, s20;
	[sflag:s22] =	ssyncset.done $0x0  }
0xa0: {  	[sflag:s22] =	ssyncadd.s32 s3;
	_ =	sdelay $0x1  }
0xa1: {  	s23 =	simm.s32 $0x1B8B  }
0xa2: {  	_ =	swait.ge [sflag:s23], $0x1  }
0xa3: {  	[sflag:s23] =	ssyncset.done $0x0  }
0xa4: {  	s25 =	simm.s32 $0x1B8E;
	s24 =	sld [smem:$0x3FFE];
	[sflag:s23] =	ssyncadd.s32 $0xFFFFFFFF  }
0xa5: {  	s26 =	simm.s32 $execute0_lowered;
	[smem:$0x3FD2] =	sst s25  }
0xa6: {  	s4 =	sshll.u32 s26, $0x1;
	_ =	strace $0x80000046;
	[dreg:$0x1] =	wrdreg $0xFFFFFFFF  }
0xa7: {  	s28 =	simm.s32 $_size_execute0_lowered;
	s2 =	sadd.s32 s2, s4;
	[dreg:$0x0] =	wrdreg $0x0  }
0xa8: {  	s4 =	sshll.u32 s28, $0x1;
	[dreg:$0x2] =	wrdreg s2  }
0xa9: {  	[dreg:$0x3] =	wrdreg s4  }
0xaa: {  	[dreg:$0x4] =	wrdreg $0xC0  }
0xab: {  	_ =	task [dreg:s6], $0x5FFFF  }
0xac: {  	[dreg:$0x1] =	wrdreg $0xFFFFFFFF  }
0xad: {  	[dreg:$0x0] =	wrdreg $0x60  }
0xae: {  	[dreg:$0x2] =	wrdreg s24  }
0xaf: {  	[dreg:$0x3] =	wrdreg $0x9  }
0xb0: {  	_ =	task.clear_ibuf [dreg:s6], $0x4FFFF;
	_ =	strace $0x90000046  }
0xb1: {  	s29 =	simm.s32 $0x9;
	_ =	strace $0x80000048  }
0xb2: {  	_ =	swait.ge [sflag:s29], $0x1  }
0xb3: {  	[sflag:s29] =	ssyncadd.s32 $0xFFFFFFFF  }
0xb4: {  	_ =	strace $0x90000048  }
0xb5: {  	_ =	sfence  }
0xb6: {  	s30 =	sld [smem:$0x0];
	_ =	sdelay $0x2  }
0xb7: {  	s31 =	sshll.u32 s1, $0xD;
	s1 =	sshrl.u32 s1, $0x2  }
0xb8: {  	s3 =	sand.u32 $0x4000, s31;
	s1 =	sadd.s32 s1, s30  }
0xb9: {  	s0 =	sor.u32 s3, s0;
	s1 =	sshll.u32 s1, $0x11  }
0xba: {  	s0 =	sor.u32 s1, s0  }
0xbb: {  	s0 =	sadd.s32 $0x8F2B, s0  }
0xbc: {  	[sflag:s0] =	ssyncadd.remote.s32 $0x1  }
0xbd: {  	_ =	sfence.sel $0xFFFF  }
0xbe: {  	[dreg:$0x0] =	wrdreg $0xFFFFFFFF;
	(pc) =	sbr.abs _section_cstart, $3  }
0xbf: {  	[dreg:$0x1] =	wrdreg $0xFFFFFFFF  }
0xc0: {  	_ =	task.clear_ibuf [dreg:s6], $0x2FFFF;
	_ =	strace $0x9FFFFFFF  }
0xc1: {  	(tm) =	ssettm $0x7FFFFFFF  }
tec
execute0_lowered:
.L_overlay_start_1:
0x0: {  	(tag) =	ssettag $0x1  }
0x1: {  	s1 =	srdreg.scid;
	s0 =	stileid.u32  }
0x2: {  	s5 =	rddreg [dreg:$0x0];
	s2 =	simm.s32 $0x0;
	s11 =	simm.s32 $0x1  }
0x3: {  	s12 =	simm.s32 $0xC800;
	s13 =	simm.s32 $0x3;
	s14 =	simm.s32 $0x2  }
0x4: {  	s15 =	simm.s32 $0x12C00;
	s16 =	simm.s32 $0x4;
	s17 =	simm.s32 $0x19000  }
0x5: {  	s18 =	simm.s32 $0x5;
	s3 =	sand.u32 $0x1, s1;
	s30 =	sshll.u32 s0, $0x1  }
0x6: {  	s19 =	simm.s32 $0x0;
	[smem:$0x7FF] =	sst s2;
	s4 =	sor.u32 s3, s30  }
0x7: {  	s1 =	rddreg [dreg:$0x1];
	_ =	strace $0x80000047;
	s6 =	smul.u32 $0x19000, s4  }
0x8: {  	s31 =	ssub.s32 $0x2, s3;
	s3 =	sadd.s32 $0x800, s5;
	s4 =	sshll.u32 s4, $0xA  }
0x9: {  	s8 =	sshrl.u32 s31, $0x1;
	s9 =	sadd.s32 s4, s5;
	s6 =	sshrl.u32 s6, $0x3  }
0xa: {  	s10 =	ssub.s32 s31, s8;
	s8 =	sadd.s32 $0x83200, s9;
	s7 =	sadd.s32 s6, s5  }
0xb: {  	v0 =	vimm.f32 $1.000000000e+00;
	vm0 =	vcmask $0x1F00;
	s9 =	smax.u32 s10, $0x1;
	s10 =	simm.s32 $0x6400;
	s4 =	sadd.s32 $0x1F200, s7  }
0xc: {  	v0 =	vsel vm0, $0x0, v0;
	s5 =	sadd.s32 $0x1FE80, s7;
	s6 =	sadd.s32 $0x20B00, s7;
	s7 =	sadd.s32 $0x21780, s7  }
.LBB2_1:
0xd: {  	[tilespmem:s2], [sflag:$0x1] =	stream.linear.gather [hbm4b:s4+s2], $0x6400, $0x38;
	[tilespmem:$0x1B000] =	vst v63  }
0xe: {  	_ = 	snop  }
0xf: {  	[tilespmem:s10], [sflag:$0x2] =	stream.linear.gather [hbm4b:s5+s2], $0x6400, $0x38;
	[tilespmem:$0x1B000] =	vst v63  }
0x10: {  	_ =	swait.ge [sflag:s11], $0x6400  }
0x11: {  	[sflag:s11] =	ssyncset.done $0x0  }
0x12: {  	[sflag:s11] =	ssyncadd.s32 $0xFFFF9C00  }
0x13: {  	[tilespmem:s12], [sflag:$0x3] =	stream.indirect.gather [hbm4b:s3+s10], $0x1, s2, s10, $0xb8;
	[tilespmem:$0x1B000] =	vst v63  }
0x14: {  	_ =	swait.ge [sflag:s13], $0x6400  }
0x15: {  	[sflag:s13] =	ssyncset.done $0x0  }
0x16: {  	[sflag:s13] =	ssyncadd.s32 $0xFFFF9C00  }
0x17: {  	_ =	swait.ge [sflag:s14], $0x6400  }
0x18: {  	[sflag:s14] =	ssyncset.done $0x0  }
0x19: {  	[sflag:s14] =	ssyncadd.s32 $0xFFFF9C00  }
0x1a: {  	[tilespmem:s15], [sflag:$0x4] =	stream.indirect.gather [hbm4b:s3+s10], $0x1, s10, s10, $0xb8;
	[tilespmem:$0x1B000] =	vst v63  }
0x1b: {  	s20 =	simm.s32 $0xC860  }
0x1c: {  	[tilespmem:s2], [sflag:$0x1] =	stream.linear.gather [hbm4b:s6+s2], $0x6400, $0x38;
	[tilespmem:$0x1B000] =	vst v63  }
0x1d: {  	v1 =	vld [tilespmem:s20+$0x58];
	_ =	sdelay $0x1  }
0x1e: {  	v2 =	vld [tilespmem:s20+$0xFFFFFFA0];
	_ =	sdelay $0x1  }
0x1f: {  	v3 =	vld [tilespmem:s20+$0xFFFFFFB0]  }
0x20: {  	v1 =	vmul.f32 v0, v1  }
0x21: {  	v4 =	vld [tilespmem:s20+$0xFFFFFFC0]  }
0x22: {  	v1 =	vadd.f32 v2, v1  }
0x23: {  	v2 =	vld [tilespmem:s20+$0xFFFFFFD0]  }
0x24: {  	v1 =	vadd.f32 v3, v1  }
0x25: {  	v3 =	vld [tilespmem:s20+$0xFFFFFFE0]  }
0x26: {  	v1 =	vadd.f32 v4, v1  }
0x27: {  	v61 =	vld [tilespmem:s20+$0xFFFFFFF0]  }
0x28: {  	v1 =	vadd.f32 v2, v1  }
0x29: {  	v2 =	vld [tilespmem:s20+$0x0]  }
0x2a: {  	v1 =	vadd.f32 v3, v1  }
0x2b: {  	v3 =	vld [tilespmem:s20+$0x10]  }
0x2c: {  	s21 =	sand.u32 $0x7FF8, s2;
	v1 =	vadd.f32 v61, v1  }
0x2d: {  	v62 =	vld [tilespmem:s21+$0xC880]  }
0x2e: {  	v1 =	vadd.f32 v2, v1  }
0x2f: {  	v2 =	vld [tilespmem:s20+$0x30]  }
0x30: {  	v1 =	vadd.f32 v3, v1  }
0x31: {  	v3 =	vld [tilespmem:s20+$0x40]  }
0x32: {  	v1 =	vadd.f32 v62, v1  }
0x33: {  	v63 =	vld [tilespmem:s20+$0x50]  }
0x34: {  	v1 =	vadd.f32 v2, v1;
	_ =	sdelay $0x1  }
0x35: {  	v1 =	vadd.f32 v3, v1;
	_ =	sdelay $0x1  }
0x36: {  	v1 =	vadd.f32 v63, v1;
	_ =	sdelay $0x1  }
0x37: {  	s20 =	simm.s32 $0xC928;
	[tilespmem:s17+$0x0] =	vst v1  }
0x38: {  	s22 =	simm.s32 $0xC8;
	s23 =	simm.s32 $0x190;
	s21 =	simm.s32 $0x19000;
	v1 =	vld [tilespmem:s20+$0x58]  }
.LBB2_2:
0x39: {  	p0 =	sne.s32 s23, $0x6338  }
0x3a: {  	v2 =	vld [tilespmem:s20+$0xFFFFFFA0];
	_ =	sdelay $0x1  }
0x3b: {  	v3 =	vld [tilespmem:s20+$0xFFFFFFB0]  }
0x3c: {  	v1 =	vmul.f32 v0, v1  }
0x3d: {  	v4 =	vld [tilespmem:s20+$0xFFFFFFC0]  }
0x3e: {  	v1 =	vadd.f32 v2, v1  }
0x3f: {  	v2 =	vld [tilespmem:s20+$0xFFFFFFD0]  }
0x40: {  	v1 =	vadd.f32 v3, v1  }
0x41: {  	v3 =	vld [tilespmem:s20+$0xFFFFFFE0]  }
0x42: {  	v1 =	vadd.f32 v4, v1  }
0x43: {  	v4 =	vld [tilespmem:s20+$0xFFFFFFF0]  }
0x44: {  	v1 =	vadd.f32 v2, v1  }
0x45: {  	v2 =	vld [tilespmem:s20+$0x0]  }
0x46: {  	v1 =	vadd.f32 v3, v1  }
0x47: {  	v3 =	vld [tilespmem:s20+$0x10]  }
0x48: {  	s24 =	sand.u32 $0x7FF8, s22;
	s22 =	smov.u32 s23;
	v1 =	vadd.f32 v4, v1  }
0x49: {  	v4 =	vld [tilespmem:s24+$0xC880]  }
0x4a: {  	v1 =	vadd.f32 v2, v1  }
0x4b: {  	v2 =	vld [tilespmem:s20+$0x30]  }
0x4c: {  	v1 =	vadd.f32 v3, v1  }
0x4d: {  	v3 =	vld [tilespmem:s20+$0x40]  }
0x4e: {  	v1 =	vadd.f32 v4, v1  }
0x4f: {  	v4 =	vld [tilespmem:s20+$0x50]  }
0x50: {  	v1 =	vadd.f32 v2, v1;
	_ =	sdelay $0x1  }
0x51: {  	v1 =	vadd.f32 v3, v1  }
.Ltmp0:
0x52: {  	(pc) =	sbr.rel @p0 .LBB2_2-.Ltmp0, $4  }
0x53: {  	v1 =	vadd.f32 v4, v1  }
0x54: {  	s21 =	sadd.s32 $0x10, s21  }
0x55: {  	s20 =	sadd.s32 $0xC8, s20;
	[tilespmem:s21+$0x0] =	vst v1  }
0x56: {  	s23 =	sadd.s32 $0xC8, s23;
	v1 =	vld [tilespmem:s20+$0x58]  }
0x57: {  	_ = 	snop  }
0x58: {  	v2 =	vld [tilespmem:s20+$0xFFFFFFA0];
	_ =	sdelay $0x1  }
0x59: {  	v3 =	vld [tilespmem:s20+$0xFFFFFFB0]  }
0x5a: {  	v1 =	vmul.f32 v0, v1  }
0x5b: {  	v4 =	vld [tilespmem:s20+$0xFFFFFFC0]  }
0x5c: {  	v1 =	vadd.f32 v2, v1  }
0x5d: {  	v2 =	vld [tilespmem:s20+$0xFFFFFFD0]  }
0x5e: {  	v1 =	vadd.f32 v3, v1  }
0x5f: {  	v3 =	vld [tilespmem:s20+$0xFFFFFFE0]  }
0x60: {  	v1 =	vadd.f32 v4, v1  }
0x61: {  	v57 =	vld [tilespmem:s20+$0xFFFFFFF0]  }
0x62: {  	v1 =	vadd.f32 v2, v1  }
0x63: {  	v2 =	vld [tilespmem:s20+$0x0]  }
0x64: {  	v1 =	vadd.f32 v3, v1  }
0x65: {  	v3 =	vld [tilespmem:s20+$0x10]  }
0x66: {  	s22 =	sand.u32 $0x7FF8, s22;
	v1 =	vadd.f32 v57, v1  }
0x67: {  	v58 =	vld [tilespmem:s22+$0xC880]  }
0x68: {  	v1 =	vadd.f32 v2, v1  }
0x69: {  	v2 =	vld [tilespmem:s20+$0x30]  }
0x6a: {  	v1 =	vadd.f32 v3, v1  }
0x6b: {  	v3 =	vld [tilespmem:s20+$0x40]  }
0x6c: {  	v1 =	vadd.f32 v58, v1  }
0x6d: {  	v59 =	vld [tilespmem:s20+$0x50]  }
0x6e: {  	v1 =	vadd.f32 v2, v1;
	_ =	sdelay $0x1  }
0x6f: {  	v1 =	vadd.f32 v3, v1;
	_ =	sdelay $0x1  }
0x70: {  	v1 =	vadd.f32 v59, v1  }
0x71: {  	s28 =	sadd.s32 $0x10, s21  }
0x72: {  	[tilespmem:s28+$0x0] =	vst v1  }
0x73: {  	_ =	swait.ge [sflag:s16], $0x6400  }
0x74: {  	[sflag:s16] =	ssyncset.done $0x0  }
0x75: {  	[sflag:s16] =	ssyncadd.s32 $0xFFFF9C00  }
0x76: {  	_ =	swait.ge [sflag:s11], $0x6400  }
0x77: {  	[sflag:s11] =	ssyncset.done $0x0  }
0x78: {  	s20 =	simm.s32 $0x0;
	[sflag:s11] =	ssyncadd.s32 $0xFFFF9C00  }
0x79: {  	[tilespmem:s12], [sflag:$0x3] =	stream.indirect.gather [hbm4b:s3+s10], $0x1, s20, s10, $0xb8;
	[tilespmem:$0x1B000] =	vst v63  }
0x7a: {  	s29 =	simm.s32 $0x12C60  }
0x7b: {  	[tilespmem:s10], [sflag:$0x2] =	stream.linear.gather [hbm4b:s7+s20], $0x6400, $0x38;
	[tilespmem:$0x1B000] =	vst v63  }
0x7c: {  	v1 =	vld [tilespmem:s29+$0x58];
	_ =	sdelay $0x1  }
0x7d: {  	v2 =	vld [tilespmem:s29+$0xFFFFFFA0];
	_ =	sdelay $0x1  }
0x7e: {  	v3 =	vld [tilespmem:s29+$0xFFFFFFB0]  }
0x7f: {  	v1 =	vmul.f32 v0, v1  }
0x80: {  	v60 =	vld [tilespmem:s29+$0xFFFFFFC0]  }
0x81: {  	v1 =	vadd.f32 v2, v1  }
0x82: {  	v2 =	vld [tilespmem:s29+$0xFFFFFFD0]  }
0x83: {  	v1 =	vadd.f32 v3, v1  }
0x84: {  	v3 =	vld [tilespmem:s29+$0xFFFFFFE0]  }
0x85: {  	v1 =	vadd.f32 v60, v1  }
0x86: {  	v61 =	vld [tilespmem:s29+$0xFFFFFFF0]  }
0x87: {  	v1 =	vadd.f32 v2, v1  }
0x88: {  	v2 =	vld [tilespmem:s29+$0x0]  }
0x89: {  	v1 =	vadd.f32 v3, v1  }
0x8a: {  	v3 =	vld [tilespmem:s29+$0x10]  }
0x8b: {  	s30 =	sand.u32 $0x7FF8, s20;
	v1 =	vadd.f32 v61, v1  }
0x8c: {  	v62 =	vld [tilespmem:s30+$0x12C80]  }
0x8d: {  	v1 =	vadd.f32 v2, v1  }
0x8e: {  	v2 =	vld [tilespmem:s29+$0x30]  }
0x8f: {  	v1 =	vadd.f32 v3, v1  }
0x90: {  	v3 =	vld [tilespmem:s29+$0x40]  }
0x91: {  	v1 =	vadd.f32 v62, v1  }
0x92: {  	v63 =	vld [tilespmem:s29+$0x50]  }
0x93: {  	v1 =	vadd.f32 v2, v1;
	_ =	sdelay $0x1  }
0x94: {  	v1 =	vadd.f32 v3, v1;
	_ =	sdelay $0x1  }
0x95: {  	v1 =	vadd.f32 v63, v1  }
0x96: {  	s31 =	sand.u32 $0x7F0, s20  }
0x97: {  	s21 =	simm.s32 $0x12D28;
	[tilespmem:s31+$0x19800] =	vst v1  }
0x98: {  	s23 =	simm.s32 $0x190;
	s22 =	simm.s32 $0xC8;
	v1 =	vld [tilespmem:s21+$0x58]  }
.LBB2_4:
0x99: {  	p0 =	sne.s32 s23, $0x6338  }
0x9a: {  	v2 =	vld [tilespmem:s21+$0xFFFFFFA0];
	_ =	sdelay $0x1  }
0x9b: {  	v3 =	vld [tilespmem:s21+$0xFFFFFFB0]  }
0x9c: {  	v1 =	vmul.f32 v0, v1  }
0x9d: {  	v4 =	vld [tilespmem:s21+$0xFFFFFFC0]  }
0x9e: {  	v1 =	vadd.f32 v2, v1  }
0x9f: {  	v2 =	vld [tilespmem:s21+$0xFFFFFFD0]  }
0xa0: {  	v1 =	vadd.f32 v3, v1  }
0xa1: {  	v3 =	vld [tilespmem:s21+$0xFFFFFFE0]  }
0xa2: {  	v1 =	vadd.f32 v4, v1  }
0xa3: {  	v4 =	vld [tilespmem:s21+$0xFFFFFFF0]  }
0xa4: {  	v1 =	vadd.f32 v2, v1  }
0xa5: {  	v2 =	vld [tilespmem:s21+$0x0]  }
0xa6: {  	v1 =	vadd.f32 v3, v1  }
0xa7: {  	v3 =	vld [tilespmem:s21+$0x10]  }
0xa8: {  	s24 =	sand.u32 $0x7FF8, s22;
	s22 =	smov.u32 s23;
	v1 =	vadd.f32 v4, v1  }
0xa9: {  	v4 =	vld [tilespmem:s24+$0x12C80]  }
0xaa: {  	v1 =	vadd.f32 v2, v1  }
0xab: {  	v2 =	vld [tilespmem:s21+$0x30]  }
0xac: {  	v1 =	vadd.f32 v3, v1  }
0xad: {  	v3 =	vld [tilespmem:s21+$0x40]  }
0xae: {  	v1 =	vadd.f32 v4, v1  }
0xaf: {  	v4 =	vld [tilespmem:s21+$0x50]  }
0xb0: {  	v1 =	vadd.f32 v2, v1;
	_ =	sdelay $0x1  }
0xb1: {  	v1 =	vadd.f32 v3, v1  }
.Ltmp1:
0xb2: {  	(pc) =	sbr.rel @p0 .LBB2_4-.Ltmp1, $4  }
0xb3: {  	s20 =	sadd.s32 $0x10, s20;
	v1 =	vadd.f32 v4, v1  }
0xb4: {  	s24 =	sand.u32 $0x7F0, s20  }
0xb5: {  	s21 =	sadd.s32 $0xC8, s21;
	[tilespmem:s24+$0x19800] =	vst v1  }
0xb6: {  	s23 =	sadd.s32 $0xC8, s23;
	v1 =	vld [tilespmem:s21+$0x58]  }
0xb7: {  	_ = 	snop  }
0xb8: {  	v2 =	vld [tilespmem:s21+$0xFFFFFFA0];
	_ =	sdelay $0x1  }
0xb9: {  	v3 =	vld [tilespmem:s21+$0xFFFFFFB0]  }
0xba: {  	v1 =	vmul.f32 v0, v1  }
0xbb: {  	v4 =	vld [tilespmem:s21+$0xFFFFFFC0]  }
0xbc: {  	v1 =	vadd.f32 v2, v1  }
0xbd: {  	v2 =	vld [tilespmem:s21+$0xFFFFFFD0]  }
0xbe: {  	v1 =	vadd.f32 v3, v1  }
0xbf: {  	v3 =	vld [tilespmem:s21+$0xFFFFFFE0]  }
0xc0: {  	v1 =	vadd.f32 v4, v1  }
0xc1: {  	v57 =	vld [tilespmem:s21+$0xFFFFFFF0]  }
0xc2: {  	v1 =	vadd.f32 v2, v1  }
0xc3: {  	v2 =	vld [tilespmem:s21+$0x0]  }
0xc4: {  	v1 =	vadd.f32 v3, v1  }
0xc5: {  	v3 =	vld [tilespmem:s21+$0x10]  }
0xc6: {  	s22 =	sand.u32 $0x7FF8, s22;
	v1 =	vadd.f32 v57, v1  }
0xc7: {  	v58 =	vld [tilespmem:s22+$0x12C80]  }
0xc8: {  	v1 =	vadd.f32 v2, v1  }
0xc9: {  	v2 =	vld [tilespmem:s21+$0x30]  }
0xca: {  	v1 =	vadd.f32 v3, v1  }
0xcb: {  	v3 =	vld [tilespmem:s21+$0x40]  }
0xcc: {  	v1 =	vadd.f32 v58, v1  }
0xcd: {  	v59 =	vld [tilespmem:s21+$0x50]  }
0xce: {  	v1 =	vadd.f32 v2, v1;
	_ =	sdelay $0x1  }
0xcf: {  	v1 =	vadd.f32 v3, v1;
	_ =	sdelay $0x1  }
0xd0: {  	s20 =	sadd.s32 $0x10, s20;
	v1 =	vadd.f32 v59, v1  }
0xd1: {  	s20 =	sand.u32 $0x7F0, s20  }
0xd2: {  	[tilespmem:s20+$0x19800] =	vst v1  }
0xd3: {  	_ =	swait.ge [sflag:s13], $0x6400  }
0xd4: {  	[sflag:s13] =	ssyncset.done $0x0  }
0xd5: {  	[sflag:s13] =	ssyncadd.s32 $0xFFFF9C00  }
0xd6: {  	_ =	swait.ge [sflag:s14], $0x6400  }
0xd7: {  	[sflag:s14] =	ssyncset.done $0x0  }
0xd8: {  	s29 =	simm.s32 $0xC860;
	[sflag:s14] =	ssyncadd.s32 $0xFFFF9C00  }
0xd9: {  	[tilespmem:s15], [sflag:$0x4] =	stream.indirect.gather [hbm4b:s3+s10], $0x1, s10, s10, $0xb8;
	[tilespmem:$0x1B000] =	vst v63  }
0xda: {  	v1 =	vld [tilespmem:s29+$0x58];
	_ =	sdelay $0x1  }
0xdb: {  	v2 =	vld [tilespmem:s29+$0xFFFFFFA0];
	_ =	sdelay $0x1  }
0xdc: {  	v3 =	vld [tilespmem:s29+$0xFFFFFFB0]  }
0xdd: {  	v1 =	vmul.f32 v0, v1  }
0xde: {  	v60 =	vld [tilespmem:s29+$0xFFFFFFC0]  }
0xdf: {  	v1 =	vadd.f32 v2, v1  }
0xe0: {  	v2 =	vld [tilespmem:s29+$0xFFFFFFD0]  }
0xe1: {  	v1 =	vadd.f32 v3, v1  }
0xe2: {  	v3 =	vld [tilespmem:s29+$0xFFFFFFE0]  }
0xe3: {  	v1 =	vadd.f32 v60, v1  }
0xe4: {  	v61 =	vld [tilespmem:s29+$0xFFFFFFF0]  }
0xe5: {  	v1 =	vadd.f32 v2, v1  }
0xe6: {  	v2 =	vld [tilespmem:s29+$0x0]  }
0xe7: {  	v1 =	vadd.f32 v3, v1  }
0xe8: {  	s20 =	simm.s32 $0x0;
	v3 =	vld [tilespmem:s29+$0x10]  }
0xe9: {  	s30 =	sand.u32 $0x7FF8, s20;
	v1 =	vadd.f32 v61, v1  }
0xea: {  	v62 =	vld [tilespmem:s30+$0xC880]  }
0xeb: {  	v1 =	vadd.f32 v2, v1  }
0xec: {  	v2 =	vld [tilespmem:s29+$0x30]  }
0xed: {  	v1 =	vadd.f32 v3, v1  }
0xee: {  	v3 =	vld [tilespmem:s29+$0x40]  }
0xef: {  	v1 =	vadd.f32 v62, v1  }
0xf0: {  	v63 =	vld [tilespmem:s29+$0x50]  }
0xf1: {  	v1 =	vadd.f32 v2, v1;
	_ =	sdelay $0x1  }
0xf2: {  	v1 =	vadd.f32 v3, v1;
	_ =	sdelay $0x1  }
0xf3: {  	v1 =	vadd.f32 v63, v1  }
0xf4: {  	s31 =	sand.u32 $0x7F0, s20  }
0xf5: {  	s21 =	simm.s32 $0xC928;
	[tilespmem:s31+$0x1A000] =	vst v1  }
0xf6: {  	s23 =	simm.s32 $0x190;
	s22 =	simm.s32 $0xC8;
	v1 =	vld [tilespmem:s21+$0x58]  }
.LBB2_6:
0xf7: {  	p0 =	sne.s32 s23, $0x6338  }
0xf8: {  	v2 =	vld [tilespmem:s21+$0xFFFFFFA0];
	_ =	sdelay $0x1  }
0xf9: {  	v3 =	vld [tilespmem:s21+$0xFFFFFFB0]  }
0xfa: {  	v1 =	vmul.f32 v0, v1  }
0xfb: {  	v4 =	vld [tilespmem:s21+$0xFFFFFFC0]  }
0xfc: {  	v1 =	vadd.f32 v2, v1  }
0xfd: {  	v2 =	vld [tilespmem:s21+$0xFFFFFFD0]  }
0xfe: {  	v1 =	vadd.f32 v3, v1  }
0xff: {  	v3 =	vld [tilespmem:s21+$0xFFFFFFE0]  }
0x100: {  	v1 =	vadd.f32 v4, v1  }
0x101: {  	v4 =	vld [tilespmem:s21+$0xFFFFFFF0]  }
0x102: {  	v1 =	vadd.f32 v2, v1  }
0x103: {  	v2 =	vld [tilespmem:s21+$0x0]  }
0x104: {  	v1 =	vadd.f32 v3, v1  }
0x105: {  	v3 =	vld [tilespmem:s21+$0x10]  }
0x106: {  	s24 =	sand.u32 $0x7FF8, s22;
	s22 =	smov.u32 s23;
	v1 =	vadd.f32 v4, v1  }
0x107: {  	v4 =	vld [tilespmem:s24+$0xC880]  }
0x108: {  	v1 =	vadd.f32 v2, v1  }
0x109: {  	v2 =	vld [tilespmem:s21+$0x30]  }
0x10a: {  	v1 =	vadd.f32 v3, v1  }
0x10b: {  	v3 =	vld [tilespmem:s21+$0x40]  }
0x10c: {  	v1 =	vadd.f32 v4, v1  }
0x10d: {  	v4 =	vld [tilespmem:s21+$0x50]  }
0x10e: {  	v1 =	vadd.f32 v2, v1;
	_ =	sdelay $0x1  }
0x10f: {  	v1 =	vadd.f32 v3, v1  }
.Ltmp2:
0x110: {  	(pc) =	sbr.rel @p0 .LBB2_6-.Ltmp2, $4  }
0x111: {  	s20 =	sadd.s32 $0x10, s20;
	v1 =	vadd.f32 v4, v1  }
0x112: {  	s24 =	sand.u32 $0x7F0, s20  }
0x113: {  	s21 =	sadd.s32 $0xC8, s21;
	[tilespmem:s24+$0x1A000] =	vst v1  }
0x114: {  	s23 =	sadd.s32 $0xC8, s23;
	v1 =	vld [tilespmem:s21+$0x58]  }
0x115: {  	_ = 	snop  }
0x116: {  	v2 =	vld [tilespmem:s21+$0xFFFFFFA0];
	_ =	sdelay $0x1  }
0x117: {  	v3 =	vld [tilespmem:s21+$0xFFFFFFB0]  }
0x118: {  	v1 =	vmul.f32 v0, v1  }
0x119: {  	v4 =	vld [tilespmem:s21+$0xFFFFFFC0]  }
0x11a: {  	v1 =	vadd.f32 v2, v1  }
0x11b: {  	v2 =	vld [tilespmem:s21+$0xFFFFFFD0]  }
0x11c: {  	v1 =	vadd.f32 v3, v1  }
0x11d: {  	v3 =	vld [tilespmem:s21+$0xFFFFFFE0]  }
0x11e: {  	v1 =	vadd.f32 v4, v1  }
0x11f: {  	v57 =	vld [tilespmem:s21+$0xFFFFFFF0]  }
0x120: {  	v1 =	vadd.f32 v2, v1  }
0x121: {  	v2 =	vld [tilespmem:s21+$0x0]  }
0x122: {  	v1 =	vadd.f32 v3, v1  }
0x123: {  	v3 =	vld [tilespmem:s21+$0x10]  }
0x124: {  	s22 =	sand.u32 $0x7FF8, s22;
	v1 =	vadd.f32 v57, v1  }
0x125: {  	v58 =	vld [tilespmem:s22+$0xC880]  }
0x126: {  	v1 =	vadd.f32 v2, v1  }
0x127: {  	v2 =	vld [tilespmem:s21+$0x30]  }
0x128: {  	v1 =	vadd.f32 v3, v1  }
0x129: {  	v3 =	vld [tilespmem:s21+$0x40]  }
0x12a: {  	v1 =	vadd.f32 v58, v1  }
0x12b: {  	v59 =	vld [tilespmem:s21+$0x50]  }
0x12c: {  	v1 =	vadd.f32 v2, v1;
	_ =	sdelay $0x1  }
0x12d: {  	v1 =	vadd.f32 v3, v1;
	_ =	sdelay $0x1  }
0x12e: {  	s20 =	sadd.s32 $0x10, s20;
	v1 =	vadd.f32 v59, v1  }
0x12f: {  	s20 =	sand.u32 $0x7F0, s20  }
0x130: {  	[tilespmem:s20+$0x1A000] =	vst v1  }
0x131: {  	_ =	swait.ge [sflag:s16], $0x6400  }
0x132: {  	[sflag:s16] =	ssyncset.done $0x0  }
0x133: {  	s29 =	simm.s32 $0x12C60;
	[sflag:s16] =	ssyncadd.s32 $0xFFFF9C00  }
0x134: {  	v1 =	vld [tilespmem:s29+$0x58];
	_ =	sdelay $0x1  }
0x135: {  	v2 =	vld [tilespmem:s29+$0xFFFFFFA0];
	_ =	sdelay $0x1  }
0x136: {  	v3 =	vld [tilespmem:s29+$0xFFFFFFB0]  }
0x137: {  	v1 =	vmul.f32 v0, v1  }
0x138: {  	v60 =	vld [tilespmem:s29+$0xFFFFFFC0]  }
0x139: {  	v1 =	vadd.f32 v2, v1  }
0x13a: {  	v2 =	vld [tilespmem:s29+$0xFFFFFFD0]  }
0x13b: {  	v1 =	vadd.f32 v3, v1  }
0x13c: {  	v3 =	vld [tilespmem:s29+$0xFFFFFFE0]  }
0x13d: {  	v1 =	vadd.f32 v60, v1  }
0x13e: {  	v61 =	vld [tilespmem:s29+$0xFFFFFFF0]  }
0x13f: {  	v1 =	vadd.f32 v2, v1  }
0x140: {  	v2 =	vld [tilespmem:s29+$0x0]  }
0x141: {  	v1 =	vadd.f32 v3, v1  }
0x142: {  	s20 =	simm.s32 $0x0;
	v3 =	vld [tilespmem:s29+$0x10]  }
0x143: {  	s30 =	sand.u32 $0x7FF8, s20;
	v1 =	vadd.f32 v61, v1  }
0x144: {  	v62 =	vld [tilespmem:s30+$0x12C80]  }
0x145: {  	v1 =	vadd.f32 v2, v1  }
0x146: {  	v2 =	vld [tilespmem:s29+$0x30]  }
0x147: {  	v1 =	vadd.f32 v3, v1  }
0x148: {  	v3 =	vld [tilespmem:s29+$0x40]  }
0x149: {  	v1 =	vadd.f32 v62, v1  }
0x14a: {  	v63 =	vld [tilespmem:s29+$0x50]  }
0x14b: {  	v1 =	vadd.f32 v2, v1;
	_ =	sdelay $0x1  }
0x14c: {  	v1 =	vadd.f32 v3, v1;
	_ =	sdelay $0x1  }
0x14d: {  	v1 =	vadd.f32 v63, v1  }
0x14e: {  	s31 =	sand.u32 $0x7F0, s20  }
0x14f: {  	s21 =	simm.s32 $0x12D28;
	[tilespmem:s31+$0x1A800] =	vst v1  }
0x150: {  	s23 =	simm.s32 $0x190;
	s22 =	simm.s32 $0xC8;
	v1 =	vld [tilespmem:s21+$0x58]  }
.LBB2_8:
0x151: {  	p0 =	sne.s32 s23, $0x6338  }
0x152: {  	v2 =	vld [tilespmem:s21+$0xFFFFFFA0];
	_ =	sdelay $0x1  }
0x153: {  	v3 =	vld [tilespmem:s21+$0xFFFFFFB0]  }
0x154: {  	v1 =	vmul.f32 v0, v1  }
0x155: {  	v4 =	vld [tilespmem:s21+$0xFFFFFFC0]  }
0x156: {  	v1 =	vadd.f32 v2, v1  }
0x157: {  	v2 =	vld [tilespmem:s21+$0xFFFFFFD0]  }
0x158: {  	v1 =	vadd.f32 v3, v1  }
0x159: {  	v3 =	vld [tilespmem:s21+$0xFFFFFFE0]  }
0x15a: {  	v1 =	vadd.f32 v4, v1  }
0x15b: {  	v4 =	vld [tilespmem:s21+$0xFFFFFFF0]  }
0x15c: {  	v1 =	vadd.f32 v2, v1  }
0x15d: {  	v2 =	vld [tilespmem:s21+$0x0]  }
0x15e: {  	v1 =	vadd.f32 v3, v1  }
0x15f: {  	v3 =	vld [tilespmem:s21+$0x10]  }
0x160: {  	s24 =	sand.u32 $0x7FF8, s22;
	s22 =	smov.u32 s23;
	v1 =	vadd.f32 v4, v1  }
0x161: {  	v4 =	vld [tilespmem:s24+$0x12C80]  }
0x162: {  	v1 =	vadd.f32 v2, v1  }
0x163: {  	v2 =	vld [tilespmem:s21+$0x30]  }
0x164: {  	v1 =	vadd.f32 v3, v1  }
0x165: {  	v3 =	vld [tilespmem:s21+$0x40]  }
0x166: {  	v1 =	vadd.f32 v4, v1  }
0x167: {  	v4 =	vld [tilespmem:s21+$0x50]  }
0x168: {  	v1 =	vadd.f32 v2, v1;
	_ =	sdelay $0x1  }
0x169: {  	v1 =	vadd.f32 v3, v1  }
.Ltmp3:
0x16a: {  	(pc) =	sbr.rel @p0 .LBB2_8-.Ltmp3, $4  }
0x16b: {  	s20 =	sadd.s32 $0x10, s20;
	v1 =	vadd.f32 v4, v1  }
0x16c: {  	s24 =	sand.u32 $0x7F0, s20  }
0x16d: {  	s21 =	sadd.s32 $0xC8, s21;
	[tilespmem:s24+$0x1A800] =	vst v1  }
0x16e: {  	s23 =	sadd.s32 $0xC8, s23;
	v1 =	vld [tilespmem:s21+$0x58]  }
0x16f: {  	_ = 	snop  }
0x170: {  	v2 =	vld [tilespmem:s21+$0xFFFFFFA0];
	_ =	sdelay $0x1  }
0x171: {  	v3 =	vld [tilespmem:s21+$0xFFFFFFB0]  }
0x172: {  	v1 =	vmul.f32 v0, v1  }
0x173: {  	v4 =	vld [tilespmem:s21+$0xFFFFFFC0]  }
0x174: {  	v1 =	vadd.f32 v2, v1  }
0x175: {  	v2 =	vld [tilespmem:s21+$0xFFFFFFD0]  }
0x176: {  	v1 =	vadd.f32 v3, v1  }
0x177: {  	v3 =	vld [tilespmem:s21+$0xFFFFFFE0]  }
0x178: {  	v1 =	vadd.f32 v4, v1  }
0x179: {  	v61 =	vld [tilespmem:s21+$0xFFFFFFF0]  }
0x17a: {  	v1 =	vadd.f32 v2, v1  }
0x17b: {  	v2 =	vld [tilespmem:s21+$0x0]  }
0x17c: {  	v1 =	vadd.f32 v3, v1  }
0x17d: {  	v3 =	vld [tilespmem:s21+$0x10]  }
0x17e: {  	s22 =	sand.u32 $0x7FF8, s22;
	v1 =	vadd.f32 v61, v1  }
0x17f: {  	v62 =	vld [tilespmem:s22+$0x12C80]  }
0x180: {  	v1 =	vadd.f32 v2, v1  }
0x181: {  	v2 =	vld [tilespmem:s21+$0x30]  }
0x182: {  	v1 =	vadd.f32 v3, v1  }
0x183: {  	v3 =	vld [tilespmem:s21+$0x40]  }
0x184: {  	v1 =	vadd.f32 v62, v1  }
0x185: {  	v63 =	vld [tilespmem:s21+$0x50]  }
0x186: {  	v1 =	vadd.f32 v2, v1;
	_ =	sdelay $0x1  }
0x187: {  	v1 =	vadd.f32 v3, v1;
	_ =	sdelay $0x1  }
0x188: {  	s20 =	sadd.s32 $0x10, s20;
	s19 =	sadd.s32 $0x1, s19;
	v1 =	vadd.f32 v63, v1  }
0x189: {  	s20 =	sand.u32 $0x7F0, s20;
	p0 =	sne.s32 s19, s9  }
.Ltmp4:
0x18a: {  	[tilespmem:s20+$0x1A800] =	vst v1;
	(pc) =	sbr.rel @p0 .LBB2_1-.Ltmp4, $4  }
0x18b: {  	[hbm4b:s8+s2] =	stream.linear.scatter [tilespmem:s17], [sflag:$0x5], $0x2000, $0x38;
	[tilespmem:$0x1B000] =	vst v63  }
0x18c: {  	_ =	swait.ge [sflag:s18], $0x2000  }
0x18d: {  	[sflag:s18] =	ssyncset.done $0x0  }
0x18e: {  	[sflag:s18] =	ssyncadd.s32 $0xFFFFE000  }
0x18f: {  	_ =	sfence.sel $0x180000  }
0x190: {  	[bflag:$0x0] =	sbarrier.arrive $0xFFFF  }
0x191: {  	p0 =	sne.s32 s0, $0x0;
	_ =	strace $0x90000047  }
0x192: {  	s0 =	sadd.s32 @!p0 $0x100000, s1;
	[bflag:$0x2] =	sbarrier.arrive $0xFFFF  }
0x193: {  	[sflag:s0] =	ssyncadd.tile.s32 @!p0 $0x1;
	_ =	shalt  }
.Lfunc_end2:
_tile_overlayer_lowered:
.L_overlay_start_2:
0x194: {  	(tag) =	ssettag $0x2  }
0x195: {  	s0 =	rddreg [dreg:$0x0];
	s2 =	stileid.u32  }
0x196: {  	s1 =	rddreg [dreg:$0x1];
	p0 =	sne.s32 s2, $0x0  }
0x197: {  	s3 =	rddreg [dreg:$0x2];
	[bflag:$0x3] =	sbarrier.arrive $0xFFFF;
	s2 =	simm.s32 @!p0 $0x1C05  }
0x198: {  	[timem:s3], [sflag:s2] =	dma.local @!p0 [hbm:s0], s1  }
0x199: {  	s0 =	simm.s32 @!p0 $0x5  }
0x19a: {  	_ =	swait.ge @!p0 [sflag:s0], s1  }
0x19b: {  	s1 =	ssub.s32 @!p0 $0x0, s1;
	[sflag:s0] =	ssyncset.done @!p0 $0x0  }
0x19c: {  	[sflag:s0] =	ssyncadd.s32 @!p0 s1  }
0x19d: {  	[bflag:$0x3] =	sbarrier.arrive $0xFFFF  }
0x19e: {  	_ =	shalt  }

</sc_bundles>
